<compile_context>
chip_gen: v7x
topology: tpu7x:2x2x1
jax: 0.10.2.dev20260603
libtpu: 0.0.44.dev20260713+nightly
codegen_flags: <defaults>
</compile_context>

<pallas_src>
import functools

import jax
import jax.numpy as jnp
from jax import lax
from jax.experimental import pallas as pl
from jax.experimental.pallas import tpu as pltpu
from jax.experimental.pallas import tpu_sc as plsc

BATCH = 16384
K = 1000
L = 16
BLK = 1024

S = 1024
NC = 2
NS = 16
NW = NC * NS
CPT = S // NW
G = CPT // 16
KC = 200


def _tc_body(uft_ref, ift_ref, uwt_ref, iwt_ref, ibt_ref, out_ref):
    uft = uft_ref[...]
    ift = ift_ref[...]
    ul = jnp.dot(uwt_ref[...], uft, preferred_element_type=jnp.float32)
    il = jnp.dot(iwt_ref[...], ift, preferred_element_type=jnp.float32)
    bias = jnp.dot(ibt_ref[...], ift, preferred_element_type=jnp.float32)
    out_ref[...] = jnp.sum(ul * il, axis=0) + bias[0]


def _tc_part(uft, ift, uwt, iwt, ibt, ncols):
    grid = (ncols // BLK,)
    return pl.pallas_call(
        _tc_body,
        grid=grid,
        in_specs=[
            pl.BlockSpec((K, BLK), lambda i: (0, i)),
            pl.BlockSpec((K, BLK), lambda i: (0, i)),
            pl.BlockSpec((L, K), lambda i: (0, 0)),
            pl.BlockSpec((L, K), lambda i: (0, 0)),
            pl.BlockSpec((1, K), lambda i: (0, 0)),
        ],
        out_specs=pl.BlockSpec((BLK,), lambda i: (i,)),
        out_shape=jax.ShapeDtypeStruct((ncols,), jnp.float32),
    )(uft, ift, uwt, iwt, ibt)


def _sc_part(uft_s, ift_s, wpk):
    mesh = plsc.VectorSubcoreMesh(core_axis_name="c", subcore_axis_name="s")

    @functools.partial(
        pl.kernel,
        out_type=jax.ShapeDtypeStruct((S,), jnp.float32),
        mesh=mesh,
        scratch_types=[
            pltpu.VMEM((KC, CPT), jnp.float32),
            pltpu.VMEM((KC, CPT), jnp.float32),
            pltpu.VMEM((KC, 48), jnp.float32),
            pltpu.VMEM((CPT,), jnp.float32),
        ],
    )
    def sc_kernel(uft_hbm, ift_hbm, w_hbm, out_hbm, uf_v, if_v, w_v, out_v):
        wid = lax.axis_index("s") * NC + lax.axis_index("c")
        c0 = wid * CPT

        for g in range(G):
            gc = g * 16
            zero = jnp.zeros((16,), jnp.float32)
            init = (tuple(zero for _ in range(L)),
                    tuple(zero for _ in range(L)),
                    zero)

            def chunk_body(q, carry, gc=gc):
                k0 = q * KC
                pltpu.sync_copy(uft_hbm.at[wid, pl.ds(k0, KC)], uf_v)
                pltpu.sync_copy(ift_hbm.at[wid, pl.ds(k0, KC)], if_v)
                pltpu.sync_copy(w_hbm.at[pl.ds(k0, KC)], w_v)

                def body(k, carry, gc=gc):
                    accu, acci, accb = carry
                    ufrow = uf_v[k, pl.ds(gc, 16)]
                    ifrow = if_v[k, pl.ds(gc, 16)]
                    uwrow = w_v[k, pl.ds(0, 16)]
                    iwrow = w_v[k, pl.ds(16, 16)]
                    brow = w_v[k, pl.ds(32, 16)]
                    new_u = tuple(accu[j] + ufrow * uwrow[j] for j in range(L))
                    new_i = tuple(acci[j] + ifrow * iwrow[j] for j in range(L))
                    new_b = accb + ifrow * brow[0]
                    return (new_u, new_i, new_b)

                return lax.fori_loop(0, KC, body, carry)

            accu, acci, accb = lax.fori_loop(0, K // KC, chunk_body, init)
            pred = accb
            for j in range(L):
                pred = pred + accu[j] * acci[j]
            out_v[pl.ds(gc, 16)] = pred

        pltpu.sync_copy(out_v, out_hbm.at[pl.ds(c0, CPT)])

    return sc_kernel(uft_s, ift_s, wpk)


def kernel(user_features, item_features, user_latent_w, item_latent_w, item_biases_w):
    uft = user_features.T
    ift = item_features.T
    uwt = user_latent_w.T
    iwt = item_latent_w.T
    ibt = item_biases_w.T

    ntc = BATCH - S
    tc_out = _tc_part(uft[:, :ntc], ift[:, :ntc], uwt, iwt, ibt, ntc)
    uf_sc = uft[:, ntc:].reshape(K, NW, CPT).transpose(1, 0, 2)
    if_sc = ift[:, ntc:].reshape(K, NW, CPT).transpose(1, 0, 2)
    wpk = jnp.concatenate(
        [user_latent_w, item_latent_w, item_biases_w,
         jnp.zeros((K, 48 - 2 * L - 1), jnp.float32)],
        axis=1,
    )
    sc_out = _sc_part(uf_sc, if_sc, wpk)
    return jnp.concatenate([tc_out, sc_out])

# --- scband reference (transcript-rebuilt; emitter-appended) ---
"""Pipeline reference for scband-matrix-factorization-17282948399792 (READ-ONLY COPY).

The authoritative reference and input builder live on the scoring server;
editing this copy changes nothing except your own understanding.
"""

import jax, jax.numpy as jnp
import numpy as np

N_USER_FEATURES = 1000
N_ITEM_FEATURES = 1000
N_LATENT = 16
BATCH = 16384
INIT_STD = 0.1


def setup_inputs(seed: int = 0) -> dict:
    key = jax.random.key(seed)
    k1, k2, k3, k4 = jax.random.split(key, 4)
    user_features = jax.random.uniform(k1, (BATCH, N_USER_FEATURES), dtype=jnp.float32)
    item_features = jax.random.uniform(k2, (BATCH, N_ITEM_FEATURES), dtype=jnp.float32)
    user_latent_w = INIT_STD * jax.random.normal(k3, (N_USER_FEATURES, N_LATENT), dtype=jnp.float32)
    item_latent_w = INIT_STD * jax.random.normal(k4, (N_ITEM_FEATURES, N_LATENT), dtype=jnp.float32)
    item_biases_w = jnp.zeros((N_ITEM_FEATURES, 1), dtype=jnp.float32)
    return {
        "user_features": user_features,
        "item_features": item_features,
        "user_latent_w": user_latent_w,
        "item_latent_w": item_latent_w,
        "item_biases_w": item_biases_w,
    }


def reference(user_features, item_features, user_latent_w, item_latent_w, item_biases_w):
    # user_latent = user_features @ user_latent.weight  (dense feature mm == weighted embedding sum)
    user_latent = jnp.matmul(user_features, user_latent_w)
    item_latent = jnp.matmul(item_features, item_latent_w)
    predictions = jnp.sum(user_latent * item_latent, axis=-1)
    item_bias = jnp.matmul(item_features, item_biases_w)
    return predictions + jnp.squeeze(item_bias, axis=-1)

if __name__ == "__main__":
    import jax
    _d = setup_inputs()
    print(jax.jit(kernel)(*tuple(_d.values())))

</pallas_src>

<mosaic_0001>
#map = affine_map<(d0, d1) -> (0, 0, 0)>
#map1 = affine_map<(d0, d1) -> (0, 0)>
#map2 = affine_map<(d0, d1) -> (0)>
module attributes {stable_mosaic.version = 14 : i64} {
  func.func @sc_kernel(%arg0: i32, %arg1: i32, %arg2: memref<32x1000x32xf32, #tpu.memory_space<hbm>>, %arg3: memref<32x1000x32xf32, #tpu.memory_space<hbm>>, %arg4: memref<1000x48xf32, #tpu.memory_space<hbm>>, %arg5: memref<1024xf32, #tpu.memory_space<hbm>>, %arg6: memref<200x32xf32, #tpu.memory_space<vmem>>, %arg7: memref<200x32xf32, #tpu.memory_space<vmem>>, %arg8: memref<200x48xf32, #tpu.memory_space<vmem>>, %arg9: memref<32xf32, #tpu.memory_space<vmem>>) attributes {dimension_semantics = [#tpu.dimension_semantics<core_parallel>, #tpu.dimension_semantics<subcore_parallel>], iteration_bounds = array<i64: 2, 16>, scalar_prefetch = 0 : i64, scratch_operands = 4 : i64, tpu.core_type = #tpu.core_type<sc_vector_subcore>, window_params = [{transform_indices = #map}, {transform_indices = #map}, {transform_indices = #map1}, {transform_indices = #map2}]} {
    %mul3A = arith.constant 2 : i32
    %mul3A_0 = arith.muli %arg1, %mul3A : i32
    %add3A = arith.addi %mul3A_0, %arg0 : i32
    %mul3A_1 = arith.constant 32 : i32
    %mul3A_2 = arith.muli %add3A, %mul3A_1 : i32
    %broadcast_in_dim3A = arith.constant 0.000000e+00 : f32
    %broadcast_in_dim3A_3 = vector.broadcast %broadcast_in_dim3A : f32 to vector<16xf32>
    %scan3A = arith.constant 0 : i32
    %scan3A_4 = arith.constant 5 : i32
    %scan3A_5 = arith.addi %scan3A, %scan3A_4 : i32
    %scan3A_6 = arith.constant 1 : i32
    %scan3A_7:33 = scf.for %scan3A_88 = %scan3A to %scan3A_5 step %scan3A_6 iter_args(%scan3A_89 = %broadcast_in_dim3A_3, %scan3A_90 = %broadcast_in_dim3A_3, %scan3A_91 = %broadcast_in_dim3A_3, %scan3A_92 = %broadcast_in_dim3A_3, %scan3A_93 = %broadcast_in_dim3A_3, %scan3A_94 = %broadcast_in_dim3A_3, %scan3A_95 = %broadcast_in_dim3A_3, %scan3A_96 = %broadcast_in_dim3A_3, %scan3A_97 = %broadcast_in_dim3A_3, %scan3A_98 = %broadcast_in_dim3A_3, %scan3A_99 = %broadcast_in_dim3A_3, %scan3A_100 = %broadcast_in_dim3A_3, %scan3A_101 = %broadcast_in_dim3A_3, %scan3A_102 = %broadcast_in_dim3A_3, %scan3A_103 = %broadcast_in_dim3A_3, %scan3A_104 = %broadcast_in_dim3A_3, %scan3A_105 = %broadcast_in_dim3A_3, %scan3A_106 = %broadcast_in_dim3A_3, %scan3A_107 = %broadcast_in_dim3A_3, %scan3A_108 = %broadcast_in_dim3A_3, %scan3A_109 = %broadcast_in_dim3A_3, %scan3A_110 = %broadcast_in_dim3A_3, %scan3A_111 = %broadcast_in_dim3A_3, %scan3A_112 = %broadcast_in_dim3A_3, %scan3A_113 = %broadcast_in_dim3A_3, %scan3A_114 = %broadcast_in_dim3A_3, %scan3A_115 = %broadcast_in_dim3A_3, %scan3A_116 = %broadcast_in_dim3A_3, %scan3A_117 = %broadcast_in_dim3A_3, %scan3A_118 = %broadcast_in_dim3A_3, %scan3A_119 = %broadcast_in_dim3A_3, %scan3A_120 = %broadcast_in_dim3A_3, %scan3A_121 = %broadcast_in_dim3A_3) -> (vector<16xf32>, vector<16xf32>, vector<16xf32>, vector<16xf32>, vector<16xf32>, vector<16xf32>, vector<16xf32>, vector<16xf32>, vector<16xf32>, vector<16xf32>, vector<16xf32>, vector<16xf32>, vector<16xf32>, vector<16xf32>, vector<16xf32>, vector<16xf32>, vector<16xf32>, vector<16xf32>, vector<16xf32>, vector<16xf32>, vector<16xf32>, vector<16xf32>, vector<16xf32>, vector<16xf32>, vector<16xf32>, vector<16xf32>, vector<16xf32>, vector<16xf32>, vector<16xf32>, vector<16xf32>, vector<16xf32>, vector<16xf32>, vector<16xf32>)  : i32 {
      %mul3A_122 = arith.constant 200 : i32
      %mul3A_123 = arith.muli %scan3A_88, %mul3A_122 : i32
      "tpu.region"() ({
        %run_scoped3A = tpu.sem_alloc : memref<!tpu.dma_semaphore, #tpu.memory_space<semaphore_mem>>
        %dma_start3A = arith.constant 0 : i32
        %dma_start3A_130 = tpu.memref_slice %arg2[%add3A, %mul3A_123, %dma_start3A] : memref<32x1000x32xf32, #tpu.memory_space<hbm>> -> memref<1x200x32xf32, #tpu.memory_space<hbm>>
        %dma_start3A_131 = tpu.memref_squeeze %dma_start3A_130 : memref<1x200x32xf32, #tpu.memory_space<hbm>> -> memref<200x32xf32, #tpu.memory_space<hbm>>
        %dma_start3A_132 = arith.constant 0 : i32
        %dma_start3A_133 = tpu.memref_slice %arg2[%add3A, %mul3A_123, %dma_start3A_132] : memref<32x1000x32xf32, #tpu.memory_space<hbm>> -> memref<1x200x32xf32, #tpu.memory_space<hbm>>
        %dma_start3A_134 = tpu.memref_squeeze %dma_start3A_133 : memref<1x200x32xf32, #tpu.memory_space<hbm>> -> memref<200x32xf32, #tpu.memory_space<hbm>>
        tpu.enqueue_dma source(%dma_start3A_134 : memref<200x32xf32, #tpu.memory_space<hbm>>) target(%arg6 : memref<200x32xf32, #tpu.memory_space<vmem>>) target_semaphore(%run_scoped3A : memref<!tpu.dma_semaphore, #tpu.memory_space<semaphore_mem>>)
        %dma_wait3A = arith.constant 0 : i32
        %dma_wait3A_135 = tpu.memref_slice %arg2[%add3A, %mul3A_123, %dma_wait3A] : memref<32x1000x32xf32, #tpu.memory_space<hbm>> -> memref<1x200x32xf32, #tpu.memory_space<hbm>>
        %dma_wait3A_136 = tpu.memref_squeeze %dma_wait3A_135 : memref<1x200x32xf32, #tpu.memory_space<hbm>> -> memref<200x32xf32, #tpu.memory_space<hbm>>
        %dma_wait3A_137 = arith.constant 0 : i32
        %dma_wait3A_138 = tpu.memref_slice %arg2[%add3A, %mul3A_123, %dma_wait3A_137] : memref<32x1000x32xf32, #tpu.memory_space<hbm>> -> memref<1x200x32xf32, #tpu.memory_space<hbm>>
        %dma_wait3A_139 = tpu.memref_squeeze %dma_wait3A_138 : memref<1x200x32xf32, #tpu.memory_space<hbm>> -> memref<200x32xf32, #tpu.memory_space<hbm>>
        tpu.wait_dma2 semaphore(%run_scoped3A : memref<!tpu.dma_semaphore, #tpu.memory_space<semaphore_mem>>) src(%dma_wait3A_139 : memref<200x32xf32, #tpu.memory_space<hbm>>) dst(%arg6 : memref<200x32xf32, #tpu.memory_space<vmem>>)
        tpu.yield
      }) : () -> ()
      "tpu.region"() ({
        %run_scoped3A = tpu.sem_alloc : memref<!tpu.dma_semaphore, #tpu.memory_space<semaphore_mem>>
        %dma_start3A = arith.constant 0 : i32
        %dma_start3A_130 = tpu.memref_slice %arg3[%add3A, %mul3A_123, %dma_start3A] : memref<32x1000x32xf32, #tpu.memory_space<hbm>> -> memref<1x200x32xf32, #tpu.memory_space<hbm>>
        %dma_start3A_131 = tpu.memref_squeeze %dma_start3A_130 : memref<1x200x32xf32, #tpu.memory_space<hbm>> -> memref<200x32xf32, #tpu.memory_space<hbm>>
        %dma_start3A_132 = arith.constant 0 : i32
        %dma_start3A_133 = tpu.memref_slice %arg3[%add3A, %mul3A_123, %dma_start3A_132] : memref<32x1000x32xf32, #tpu.memory_space<hbm>> -> memref<1x200x32xf32, #tpu.memory_space<hbm>>
        %dma_start3A_134 = tpu.memref_squeeze %dma_start3A_133 : memref<1x200x32xf32, #tpu.memory_space<hbm>> -> memref<200x32xf32, #tpu.memory_space<hbm>>
        tpu.enqueue_dma source(%dma_start3A_134 : memref<200x32xf32, #tpu.memory_space<hbm>>) target(%arg7 : memref<200x32xf32, #tpu.memory_space<vmem>>) target_semaphore(%run_scoped3A : memref<!tpu.dma_semaphore, #tpu.memory_space<semaphore_mem>>)
        %dma_wait3A = arith.constant 0 : i32
        %dma_wait3A_135 = tpu.memref_slice %arg3[%add3A, %mul3A_123, %dma_wait3A] : memref<32x1000x32xf32, #tpu.memory_space<hbm>> -> memref<1x200x32xf32, #tpu.memory_space<hbm>>
        %dma_wait3A_136 = tpu.memref_squeeze %dma_wait3A_135 : memref<1x200x32xf32, #tpu.memory_space<hbm>> -> memref<200x32xf32, #tpu.memory_space<hbm>>
        %dma_wait3A_137 = arith.constant 0 : i32
        %dma_wait3A_138 = tpu.memref_slice %arg3[%add3A, %mul3A_123, %dma_wait3A_137] : memref<32x1000x32xf32, #tpu.memory_space<hbm>> -> memref<1x200x32xf32, #tpu.memory_space<hbm>>
        %dma_wait3A_139 = tpu.memref_squeeze %dma_wait3A_138 : memref<1x200x32xf32, #tpu.memory_space<hbm>> -> memref<200x32xf32, #tpu.memory_space<hbm>>
        tpu.wait_dma2 semaphore(%run_scoped3A : memref<!tpu.dma_semaphore, #tpu.memory_space<semaphore_mem>>) src(%dma_wait3A_139 : memref<200x32xf32, #tpu.memory_space<hbm>>) dst(%arg7 : memref<200x32xf32, #tpu.memory_space<vmem>>)
        tpu.yield
      }) : () -> ()
      "tpu.region"() ({
        %run_scoped3A = tpu.sem_alloc : memref<!tpu.dma_semaphore, #tpu.memory_space<semaphore_mem>>
        %dma_start3A = arith.constant 0 : i32
        %dma_start3A_130 = tpu.memref_slice %arg4[%mul3A_123, %dma_start3A] : memref<1000x48xf32, #tpu.memory_space<hbm>> -> memref<200x48xf32, #tpu.memory_space<hbm>>
        %dma_start3A_131 = arith.constant 0 : i32
        %dma_start3A_132 = tpu.memref_slice %arg4[%mul3A_123, %dma_start3A_131] : memref<1000x48xf32, #tpu.memory_space<hbm>> -> memref<200x48xf32, #tpu.memory_space<hbm>>
        tpu.enqueue_dma source(%dma_start3A_132 : memref<200x48xf32, #tpu.memory_space<hbm>>) target(%arg8 : memref<200x48xf32, #tpu.memory_space<vmem>>) target_semaphore(%run_scoped3A : memref<!tpu.dma_semaphore, #tpu.memory_space<semaphore_mem>>)
        %dma_wait3A = arith.constant 0 : i32
        %dma_wait3A_133 = tpu.memref_slice %arg4[%mul3A_123, %dma_wait3A] : memref<1000x48xf32, #tpu.memory_space<hbm>> -> memref<200x48xf32, #tpu.memory_space<hbm>>
        %dma_wait3A_134 = arith.constant 0 : i32
        %dma_wait3A_135 = tpu.memref_slice %arg4[%mul3A_123, %dma_wait3A_134] : memref<1000x48xf32, #tpu.memory_space<hbm>> -> memref<200x48xf32, #tpu.memory_space<hbm>>
        tpu.wait_dma2 semaphore(%run_scoped3A : memref<!tpu.dma_semaphore, #tpu.memory_space<semaphore_mem>>) src(%dma_wait3A_135 : memref<200x48xf32, #tpu.memory_space<hbm>>) dst(%arg8 : memref<200x48xf32, #tpu.memory_space<vmem>>)
        tpu.yield
      }) : () -> ()
      %scan3A_124 = arith.constant 0 : i32
      %scan3A_125 = arith.constant 200 : i32
      %scan3A_126 = arith.addi %scan3A_124, %scan3A_125 : i32
      %scan3A_127 = arith.constant 1 : i32
      %scan3A_128:33 = scf.for %scan3A_130 = %scan3A_124 to %scan3A_126 step %scan3A_127 iter_args(%scan3A_131 = %scan3A_89, %scan3A_132 = %scan3A_90, %scan3A_133 = %scan3A_91, %scan3A_134 = %scan3A_92, %scan3A_135 = %scan3A_93, %scan3A_136 = %scan3A_94, %scan3A_137 = %scan3A_95, %scan3A_138 = %scan3A_96, %scan3A_139 = %scan3A_97, %scan3A_140 = %scan3A_98, %scan3A_141 = %scan3A_99, %scan3A_142 = %scan3A_100, %scan3A_143 = %scan3A_101, %scan3A_144 = %scan3A_102, %scan3A_145 = %scan3A_103, %scan3A_146 = %scan3A_104, %scan3A_147 = %scan3A_105, %scan3A_148 = %scan3A_106, %scan3A_149 = %scan3A_107, %scan3A_150 = %scan3A_108, %scan3A_151 = %scan3A_109, %scan3A_152 = %scan3A_110, %scan3A_153 = %scan3A_111, %scan3A_154 = %scan3A_112, %scan3A_155 = %scan3A_113, %scan3A_156 = %scan3A_114, %scan3A_157 = %scan3A_115, %scan3A_158 = %scan3A_116, %scan3A_159 = %scan3A_117, %scan3A_160 = %scan3A_118, %scan3A_161 = %scan3A_119, %scan3A_162 = %scan3A_120, %scan3A_163 = %scan3A_121) -> (vector<16xf32>, vector<16xf32>, vector<16xf32>, vector<16xf32>, vector<16xf32>, vector<16xf32>, vector<16xf32>, vector<16xf32>, vector<16xf32>, vector<16xf32>, vector<16xf32>, vector<16xf32>, vector<16xf32>, vector<16xf32>, vector<16xf32>, vector<16xf32>, vector<16xf32>, vector<16xf32>, vector<16xf32>, vector<16xf32>, vector<16xf32>, vector<16xf32>, vector<16xf32>, vector<16xf32>, vector<16xf32>, vector<16xf32>, vector<16xf32>, vector<16xf32>, vector<16xf32>, vector<16xf32>, vector<16xf32>, vector<16xf32>, vector<16xf32>)  : i32 {
        %get3A = arith.index_cast %scan3A_130 : i32 to index
        %get3A_164 = arith.constant 0 : index
        %get3A_165 = tpu.vector_load %arg6[%get3A, %get3A_164] {strides = array<i32>} : memref<200x32xf32, #tpu.memory_space<vmem>>, vector<1x16xf32>,
        %get3A_166 = vector.shape_cast %get3A_165 : vector<1x16xf32> to vector<16xf32>
        %get3A_167 = arith.index_cast %scan3A_130 : i32 to index
        %get3A_168 = arith.constant 0 : index
        %get3A_169 = tpu.vector_load %arg7[%get3A_167, %get3A_168] {strides = array<i32>} : memref<200x32xf32, #tpu.memory_space<vmem>>, vector<1x16xf32>,
        %get3A_170 = vector.shape_cast %get3A_169 : vector<1x16xf32> to vector<16xf32>
        %get3A_171 = arith.index_cast %scan3A_130 : i32 to index
        %get3A_172 = arith.constant 0 : index
        %get3A_173 = tpu.vector_load %arg8[%get3A_171, %get3A_172] {strides = array<i32>} : memref<200x48xf32, #tpu.memory_space<vmem>>, vector<1x16xf32>,
        %get3A_174 = vector.shape_cast %get3A_173 : vector<1x16xf32> to vector<16xf32>
        %get3A_175 = arith.index_cast %scan3A_130 : i32 to index
        %get3A_176 = arith.constant 16 : index
        %get3A_177 = tpu.vector_load %arg8[%get3A_175, %get3A_176] {strides = array<i32>} : memref<200x48xf32, #tpu.memory_space<vmem>>, vector<1x16xf32>,
        %get3A_178 = vector.shape_cast %get3A_177 : vector<1x16xf32> to vector<16xf32>
        %get3A_179 = arith.index_cast %scan3A_130 : i32 to index
        %get3A_180 = arith.constant 32 : index
        %get3A_181 = tpu.vector_load %arg8[%get3A_179, %get3A_180] {strides = array<i32>} : memref<200x48xf32, #tpu.memory_space<vmem>>, vector<1x16xf32>,
        %get3A_182 = vector.shape_cast %get3A_181 : vector<1x16xf32> to vector<16xf32>
        %slice3A = vector.extract_strided_slice %get3A_174 {offsets = [0], sizes = [1], strides = [1]} : vector<16xf32> to vector<1xf32>
        %squeeze3A = vector.extract %slice3A[0] : f32 from vector<1xf32>
        %mul3A_183 = vector.broadcast %squeeze3A : f32 to vector<16xf32>
        %mul3A_184 = arith.mulf %get3A_166, %mul3A_183 : vector<16xf32>
        %add3A_185 = arith.addf %scan3A_131, %mul3A_184 : vector<16xf32>
        %slice3A_186 = vector.extract_strided_slice %get3A_174 {offsets = [1], sizes = [1], strides = [1]} : vector<16xf32> to vector<1xf32>
        %squeeze3A_187 = vector.extract %slice3A_186[0] : f32 from vector<1xf32>
        %mul3A_188 = vector.broadcast %squeeze3A_187 : f32 to vector<16xf32>
        %mul3A_189 = arith.mulf %get3A_166, %mul3A_188 : vector<16xf32>
        %add3A_190 = arith.addf %scan3A_132, %mul3A_189 : vector<16xf32>
        %slice3A_191 = vector.extract_strided_slice %get3A_174 {offsets = [2], sizes = [1], strides = [1]} : vector<16xf32> to vector<1xf32>
        %squeeze3A_192 = vector.extract %slice3A_191[0] : f32 from vector<1xf32>
        %mul3A_193 = vector.broadcast %squeeze3A_192 : f32 to vector<16xf32>
        %mul3A_194 = arith.mulf %get3A_166, %mul3A_193 : vector<16xf32>
        %add3A_195 = arith.addf %scan3A_133, %mul3A_194 : vector<16xf32>
        %slice3A_196 = vector.extract_strided_slice %get3A_174 {offsets = [3], sizes = [1], strides = [1]} : vector<16xf32> to vector<1xf32>
        %squeeze3A_197 = vector.extract %slice3A_196[0] : f32 from vector<1xf32>
        %mul3A_198 = vector.broadcast %squeeze3A_197 : f32 to vector<16xf32>
        %mul3A_199 = arith.mulf %get3A_166, %mul3A_198 : vector<16xf32>
        %add3A_200 = arith.addf %scan3A_134, %mul3A_199 : vector<16xf32>
        %slice3A_201 = vector.extract_strided_slice %get3A_174 {offsets = [4], sizes = [1], strides = [1]} : vector<16xf32> to vector<1xf32>
        %squeeze3A_202 = vector.extract %slice3A_201[0] : f32 from vector<1xf32>
        %mul3A_203 = vector.broadcast %squeeze3A_202 : f32 to vector<16xf32>
        %mul3A_204 = arith.mulf %get3A_166, %mul3A_203 : vector<16xf32>
        %add3A_205 = arith.addf %scan3A_135, %mul3A_204 : vector<16xf32>
        %slice3A_206 = vector.extract_strided_slice %get3A_174 {offsets = [5], sizes = [1], strides = [1]} : vector<16xf32> to vector<1xf32>
        %squeeze3A_207 = vector.extract %slice3A_206[0] : f32 from vector<1xf32>
        %mul3A_208 = vector.broadcast %squeeze3A_207 : f32 to vector<16xf32>
        %mul3A_209 = arith.mulf %get3A_166, %mul3A_208 : vector<16xf32>
        %add3A_210 = arith.addf %scan3A_136, %mul3A_209 : vector<16xf32>
        %slice3A_211 = vector.extract_strided_slice %get3A_174 {offsets = [6], sizes = [1], strides = [1]} : vector<16xf32> to vector<1xf32>
        %squeeze3A_212 = vector.extract %slice3A_211[0] : f32 from vector<1xf32>
        %mul3A_213 = vector.broadcast %squeeze3A_212 : f32 to vector<16xf32>
        %mul3A_214 = arith.mulf %get3A_166, %mul3A_213 : vector<16xf32>
        %add3A_215 = arith.addf %scan3A_137, %mul3A_214 : vector<16xf32>
        %slice3A_216 = vector.extract_strided_slice %get3A_174 {offsets = [7], sizes = [1], strides = [1]} : vector<16xf32> to vector<1xf32>
        %squeeze3A_217 = vector.extract %slice3A_216[0] : f32 from vector<1xf32>
        %mul3A_218 = vector.broadcast %squeeze3A_217 : f32 to vector<16xf32>
        %mul3A_219 = arith.mulf %get3A_166, %mul3A_218 : vector<16xf32>
        %add3A_220 = arith.addf %scan3A_138, %mul3A_219 : vector<16xf32>
        %slice3A_221 = vector.extract_strided_slice %get3A_174 {offsets = [8], sizes = [1], strides = [1]} : vector<16xf32> to vector<1xf32>
        %squeeze3A_222 = vector.extract %slice3A_221[0] : f32 from vector<1xf32>
        %mul3A_223 = vector.broadcast %squeeze3A_222 : f32 to vector<16xf32>
        %mul3A_224 = arith.mulf %get3A_166, %mul3A_223 : vector<16xf32>
        %add3A_225 = arith.addf %scan3A_139, %mul3A_224 : vector<16xf32>
        %slice3A_226 = vector.extract_strided_slice %get3A_174 {offsets = [9], sizes = [1], strides = [1]} : vector<16xf32> to vector<1xf32>
        %squeeze3A_227 = vector.extract %slice3A_226[0] : f32 from vector<1xf32>
        %mul3A_228 = vector.broadcast %squeeze3A_227 : f32 to vector<16xf32>
        %mul3A_229 = arith.mulf %get3A_166, %mul3A_228 : vector<16xf32>
        %add3A_230 = arith.addf %scan3A_140, %mul3A_229 : vector<16xf32>
        %slice3A_231 = vector.extract_strided_slice %get3A_174 {offsets = [10], sizes = [1], strides = [1]} : vector<16xf32> to vector<1xf32>
        %squeeze3A_232 = vector.extract %slice3A_231[0] : f32 from vector<1xf32>
        %mul3A_233 = vector.broadcast %squeeze3A_232 : f32 to vector<16xf32>
        %mul3A_234 = arith.mulf %get3A_166, %mul3A_233 : vector<16xf32>
        %add3A_235 = arith.addf %scan3A_141, %mul3A_234 : vector<16xf32>
        %slice3A_236 = vector.extract_strided_slice %get3A_174 {offsets = [11], sizes = [1], strides = [1]} : vector<16xf32> to vector<1xf32>
        %squeeze3A_237 = vector.extract %slice3A_236[0] : f32 from vector<1xf32>
        %mul3A_238 = vector.broadcast %squeeze3A_237 : f32 to vector<16xf32>
        %mul3A_239 = arith.mulf %get3A_166, %mul3A_238 : vector<16xf32>
        %add3A_240 = arith.addf %scan3A_142, %mul3A_239 : vector<16xf32>
        %slice3A_241 = vector.extract_strided_slice %get3A_174 {offsets = [12], sizes = [1], strides = [1]} : vector<16xf32> to vector<1xf32>
        %squeeze3A_242 = vector.extract %slice3A_241[0] : f32 from vector<1xf32>
        %mul3A_243 = vector.broadcast %squeeze3A_242 : f32 to vector<16xf32>
        %mul3A_244 = arith.mulf %get3A_166, %mul3A_243 : vector<16xf32>
        %add3A_245 = arith.addf %scan3A_143, %mul3A_244 : vector<16xf32>
        %slice3A_246 = vector.extract_strided_slice %get3A_174 {offsets = [13], sizes = [1], strides = [1]} : vector<16xf32> to vector<1xf32>
        %squeeze3A_247 = vector.extract %slice3A_246[0] : f32 from vector<1xf32>
        %mul3A_248 = vector.broadcast %squeeze3A_247 : f32 to vector<16xf32>
        %mul3A_249 = arith.mulf %get3A_166, %mul3A_248 : vector<16xf32>
        %add3A_250 = arith.addf %scan3A_144, %mul3A_249 : vector<16xf32>
        %slice3A_251 = vector.extract_strided_slice %get3A_174 {offsets = [14], sizes = [1], strides = [1]} : vector<16xf32> to vector<1xf32>
        %squeeze3A_252 = vector.extract %slice3A_251[0] : f32 from vector<1xf32>
        %mul3A_253 = vector.broadcast %squeeze3A_252 : f32 to vector<16xf32>
        %mul3A_254 = arith.mulf %get3A_166, %mul3A_253 : vector<16xf32>
        %add3A_255 = arith.addf %scan3A_145, %mul3A_254 : vector<16xf32>
        %slice3A_256 = vector.extract_strided_slice %get3A_174 {offsets = [15], sizes = [1], strides = [1]} : vector<16xf32> to vector<1xf32>
        %squeeze3A_257 = vector.extract %slice3A_256[0] : f32 from vector<1xf32>
        %mul3A_258 = vector.broadcast %squeeze3A_257 : f32 to vector<16xf32>
        %mul3A_259 = arith.mulf %get3A_166, %mul3A_258 : vector<16xf32>
        %add3A_260 = arith.addf %scan3A_146, %mul3A_259 : vector<16xf32>
        %slice3A_261 = vector.extract_strided_slice %get3A_178 {offsets = [0], sizes = [1], strides = [1]} : vector<16xf32> to vector<1xf32>
        %squeeze3A_262 = vector.extract %slice3A_261[0] : f32 from vector<1xf32>
        %mul3A_263 = vector.broadcast %squeeze3A_262 : f32 to vector<16xf32>
        %mul3A_264 = arith.mulf %get3A_170, %mul3A_263 : vector<16xf32>
        %add3A_265 = arith.addf %scan3A_147, %mul3A_264 : vector<16xf32>
        %slice3A_266 = vector.extract_strided_slice %get3A_178 {offsets = [1], sizes = [1], strides = [1]} : vector<16xf32> to vector<1xf32>
        %squeeze3A_267 = vector.extract %slice3A_266[0] : f32 from vector<1xf32>
        %mul3A_268 = vector.broadcast %squeeze3A_267 : f32 to vector<16xf32>
        %mul3A_269 = arith.mulf %get3A_170, %mul3A_268 : vector<16xf32>
        %add3A_270 = arith.addf %scan3A_148, %mul3A_269 : vector<16xf32>
        %slice3A_271 = vector.extract_strided_slice %get3A_178 {offsets = [2], sizes = [1], strides = [1]} : vector<16xf32> to vector<1xf32>
        %squeeze3A_272 = vector.extract %slice3A_271[0] : f32 from vector<1xf32>
        %mul3A_273 = vector.broadcast %squeeze3A_272 : f32 to vector<16xf32>
        %mul3A_274 = arith.mulf %get3A_170, %mul3A_273 : vector<16xf32>
        %add3A_275 = arith.addf %scan3A_149, %mul3A_274 : vector<16xf32>
        %slice3A_276 = vector.extract_strided_slice %get3A_178 {offsets = [3], sizes = [1], strides = [1]} : vector<16xf32> to vector<1xf32>
        %squeeze3A_277 = vector.extract %slice3A_276[0] : f32 from vector<1xf32>
        %mul3A_278 = vector.broadcast %squeeze3A_277 : f32 to vector<16xf32>
        %mul3A_279 = arith.mulf %get3A_170, %mul3A_278 : vector<16xf32>
        %add3A_280 = arith.addf %scan3A_150, %mul3A_279 : vector<16xf32>
        %slice3A_281 = vector.extract_strided_slice %get3A_178 {offsets = [4], sizes = [1], strides = [1]} : vector<16xf32> to vector<1xf32>
        %squeeze3A_282 = vector.extract %slice3A_281[0] : f32 from vector<1xf32>
        %mul3A_283 = vector.broadcast %squeeze3A_282 : f32 to vector<16xf32>
        %mul3A_284 = arith.mulf %get3A_170, %mul3A_283 : vector<16xf32>
        %add3A_285 = arith.addf %scan3A_151, %mul3A_284 : vector<16xf32>
        %slice3A_286 = vector.extract_strided_slice %get3A_178 {offsets = [5], sizes = [1], strides = [1]} : vector<16xf32> to vector<1xf32>
        %squeeze3A_287 = vector.extract %slice3A_286[0] : f32 from vector<1xf32>
        %mul3A_288 = vector.broadcast %squeeze3A_287 : f32 to vector<16xf32>
        %mul3A_289 = arith.mulf %get3A_170, %mul3A_288 : vector<16xf32>
        %add3A_290 = arith.addf %scan3A_152, %mul3A_289 : vector<16xf32>
        %slice3A_291 = vector.extract_strided_slice %get3A_178 {offsets = [6], sizes = [1], strides = [1]} : vector<16xf32> to vector<1xf32>
        %squeeze3A_292 = vector.extract %slice3A_291[0] : f32 from vector<1xf32>
        %mul3A_293 = vector.broadcast %squeeze3A_292 : f32 to vector<16xf32>
        %mul3A_294 = arith.mulf %get3A_170, %mul3A_293 : vector<16xf32>
        %add3A_295 = arith.addf %scan3A_153, %mul3A_294 : vector<16xf32>
        %slice3A_296 = vector.extract_strided_slice %get3A_178 {offsets = [7], sizes = [1], strides = [1]} : vector<16xf32> to vector<1xf32>
        %squeeze3A_297 = vector.extract %slice3A_296[0] : f32 from vector<1xf32>
        %mul3A_298 = vector.broadcast %squeeze3A_297 : f32 to vector<16xf32>
        %mul3A_299 = arith.mulf %get3A_170, %mul3A_298 : vector<16xf32>
        %add3A_300 = arith.addf %scan3A_154, %mul3A_299 : vector<16xf32>
        %slice3A_301 = vector.extract_strided_slice %get3A_178 {offsets = [8], sizes = [1], strides = [1]} : vector<16xf32> to vector<1xf32>
        %squeeze3A_302 = vector.extract %slice3A_301[0] : f32 from vector<1xf32>
        %mul3A_303 = vector.broadcast %squeeze3A_302 : f32 to vector<16xf32>
        %mul3A_304 = arith.mulf %get3A_170, %mul3A_303 : vector<16xf32>
        %add3A_305 = arith.addf %scan3A_155, %mul3A_304 : vector<16xf32>
        %slice3A_306 = vector.extract_strided_slice %get3A_178 {offsets = [9], sizes = [1], strides = [1]} : vector<16xf32> to vector<1xf32>
        %squeeze3A_307 = vector.extract %slice3A_306[0] : f32 from vector<1xf32>
        %mul3A_308 = vector.broadcast %squeeze3A_307 : f32 to vector<16xf32>
        %mul3A_309 = arith.mulf %get3A_170, %mul3A_308 : vector<16xf32>
        %add3A_310 = arith.addf %scan3A_156, %mul3A_309 : vector<16xf32>
        %slice3A_311 = vector.extract_strided_slice %get3A_178 {offsets = [10], sizes = [1], strides = [1]} : vector<16xf32> to vector<1xf32>
        %squeeze3A_312 = vector.extract %slice3A_311[0] : f32 from vector<1xf32>
        %mul3A_313 = vector.broadcast %squeeze3A_312 : f32 to vector<16xf32>
        %mul3A_314 = arith.mulf %get3A_170, %mul3A_313 : vector<16xf32>
        %add3A_315 = arith.addf %scan3A_157, %mul3A_314 : vector<16xf32>
        %slice3A_316 = vector.extract_strided_slice %get3A_178 {offsets = [11], sizes = [1], strides = [1]} : vector<16xf32> to vector<1xf32>
        %squeeze3A_317 = vector.extract %slice3A_316[0] : f32 from vector<1xf32>
        %mul3A_318 = vector.broadcast %squeeze3A_317 : f32 to vector<16xf32>
        %mul3A_319 = arith.mulf %get3A_170, %mul3A_318 : vector<16xf32>
        %add3A_320 = arith.addf %scan3A_158, %mul3A_319 : vector<16xf32>
        %slice3A_321 = vector.extract_strided_slice %get3A_178 {offsets = [12], sizes = [1], strides = [1]} : vector<16xf32> to vector<1xf32>
        %squeeze3A_322 = vector.extract %slice3A_321[0] : f32 from vector<1xf32>
        %mul3A_323 = vector.broadcast %squeeze3A_322 : f32 to vector<16xf32>
        %mul3A_324 = arith.mulf %get3A_170, %mul3A_323 : vector<16xf32>
        %add3A_325 = arith.addf %scan3A_159, %mul3A_324 : vector<16xf32>
        %slice3A_326 = vector.extract_strided_slice %get3A_178 {offsets = [13], sizes = [1], strides = [1]} : vector<16xf32> to vector<1xf32>
        %squeeze3A_327 = vector.extract %slice3A_326[0] : f32 from vector<1xf32>
        %mul3A_328 = vector.broadcast %squeeze3A_327 : f32 to vector<16xf32>
        %mul3A_329 = arith.mulf %get3A_170, %mul3A_328 : vector<16xf32>
        %add3A_330 = arith.addf %scan3A_160, %mul3A_329 : vector<16xf32>
        %slice3A_331 = vector.extract_strided_slice %get3A_178 {offsets = [14], sizes = [1], strides = [1]} : vector<16xf32> to vector<1xf32>
        %squeeze3A_332 = vector.extract %slice3A_331[0] : f32 from vector<1xf32>
        %mul3A_333 = vector.broadcast %squeeze3A_332 : f32 to vector<16xf32>
        %mul3A_334 = arith.mulf %get3A_170, %mul3A_333 : vector<16xf32>
        %add3A_335 = arith.addf %scan3A_161, %mul3A_334 : vector<16xf32>
        %slice3A_336 = vector.extract_strided_slice %get3A_178 {offsets = [15], sizes = [1], strides = [1]} : vector<16xf32> to vector<1xf32>
        %squeeze3A_337 = vector.extract %slice3A_336[0] : f32 from vector<1xf32>
        %mul3A_338 = vector.broadcast %squeeze3A_337 : f32 to vector<16xf32>
        %mul3A_339 = arith.mulf %get3A_170, %mul3A_338 : vector<16xf32>
        %add3A_340 = arith.addf %scan3A_162, %mul3A_339 : vector<16xf32>
        %slice3A_341 = vector.extract_strided_slice %get3A_182 {offsets = [0], sizes = [1], strides = [1]} : vector<16xf32> to vector<1xf32>
        %squeeze3A_342 = vector.extract %slice3A_341[0] : f32 from vector<1xf32>
        %mul3A_343 = vector.broadcast %squeeze3A_342 : f32 to vector<16xf32>
        %mul3A_344 = arith.mulf %get3A_170, %mul3A_343 : vector<16xf32>
        %add3A_345 = arith.addf %scan3A_163, %mul3A_344 : vector<16xf32>
        scf.yield %add3A_185, %add3A_190, %add3A_195, %add3A_200, %add3A_205, %add3A_210, %add3A_215, %add3A_220, %add3A_225, %add3A_230, %add3A_235, %add3A_240, %add3A_245, %add3A_250, %add3A_255, %add3A_260, %add3A_265, %add3A_270, %add3A_275, %add3A_280, %add3A_285, %add3A_290, %add3A_295, %add3A_300, %add3A_305, %add3A_310, %add3A_315, %add3A_320, %add3A_325, %add3A_330, %add3A_335, %add3A_340, %add3A_345 : vector<16xf32>, vector<16xf32>, vector<16xf32>, vector<16xf32>, vector<16xf32>, vector<16xf32>, vector<16xf32>, vector<16xf32>, vector<16xf32>, vector<16xf32>, vector<16xf32>, vector<16xf32>, vector<16xf32>, vector<16xf32>, vector<16xf32>, vector<16xf32>, vector<16xf32>, vector<16xf32>, vector<16xf32>, vector<16xf32>, vector<16xf32>, vector<16xf32>, vector<16xf32>, vector<16xf32>, vector<16xf32>, vector<16xf32>, vector<16xf32>, vector<16xf32>, vector<16xf32>, vector<16xf32>, vector<16xf32>, vector<16xf32>, vector<16xf32>
      }
      %scan3A_129 = arith.constant 200 : i32
      scf.yield %scan3A_128#0, %scan3A_128#1, %scan3A_128#2, %scan3A_128#3, %scan3A_128#4, %scan3A_128#5, %scan3A_128#6, %scan3A_128#7, %scan3A_128#8, %scan3A_128#9, %scan3A_128#10, %scan3A_128#11, %scan3A_128#12, %scan3A_128#13, %scan3A_128#14, %scan3A_128#15, %scan3A_128#16, %scan3A_128#17, %scan3A_128#18, %scan3A_128#19, %scan3A_128#20, %scan3A_128#21, %scan3A_128#22, %scan3A_128#23, %scan3A_128#24, %scan3A_128#25, %scan3A_128#26, %scan3A_128#27, %scan3A_128#28, %scan3A_128#29, %scan3A_128#30, %scan3A_128#31, %scan3A_128#32 : vector<16xf32>, vector<16xf32>, vector<16xf32>, vector<16xf32>, vector<16xf32>, vector<16xf32>, vector<16xf32>, vector<16xf32>, vector<16xf32>, vector<16xf32>, vector<16xf32>, vector<16xf32>, vector<16xf32>, vector<16xf32>, vector<16xf32>, vector<16xf32>, vector<16xf32>, vector<16xf32>, vector<16xf32>, vector<16xf32>, vector<16xf32>, vector<16xf32>, vector<16xf32>, vector<16xf32>, vector<16xf32>, vector<16xf32>, vector<16xf32>, vector<16xf32>, vector<16xf32>, vector<16xf32>, vector<16xf32>, vector<16xf32>, vector<16xf32>
    }
    %scan3A_8 = arith.constant 5 : i32
    %mul3A_9 = arith.mulf %scan3A_7#0, %scan3A_7#16 : vector<16xf32>
    %add3A_10 = arith.addf %scan3A_7#32, %mul3A_9 : vector<16xf32>
    %mul3A_11 = arith.mulf %scan3A_7#1, %scan3A_7#17 : vector<16xf32>
    %add3A_12 = arith.addf %add3A_10, %mul3A_11 : vector<16xf32>
    %mul3A_13 = arith.mulf %scan3A_7#2, %scan3A_7#18 : vector<16xf32>
    %add3A_14 = arith.addf %add3A_12, %mul3A_13 : vector<16xf32>
    %mul3A_15 = arith.mulf %scan3A_7#3, %scan3A_7#19 : vector<16xf32>
    %add3A_16 = arith.addf %add3A_14, %mul3A_15 : vector<16xf32>
    %mul3A_17 = arith.mulf %scan3A_7#4, %scan3A_7#20 : vector<16xf32>
    %add3A_18 = arith.addf %add3A_16, %mul3A_17 : vector<16xf32>
    %mul3A_19 = arith.mulf %scan3A_7#5, %scan3A_7#21 : vector<16xf32>
    %add3A_20 = arith.addf %add3A_18, %mul3A_19 : vector<16xf32>
    %mul3A_21 = arith.mulf %scan3A_7#6, %scan3A_7#22 : vector<16xf32>
    %add3A_22 = arith.addf %add3A_20, %mul3A_21 : vector<16xf32>
    %mul3A_23 = arith.mulf %scan3A_7#7, %scan3A_7#23 : vector<16xf32>
    %add3A_24 = arith.addf %add3A_22, %mul3A_23 : vector<16xf32>
    %mul3A_25 = arith.mulf %scan3A_7#8, %scan3A_7#24 : vector<16xf32>
    %add3A_26 = arith.addf %add3A_24, %mul3A_25 : vector<16xf32>
    %mul3A_27 = arith.mulf %scan3A_7#9, %scan3A_7#25 : vector<16xf32>
    %add3A_28 = arith.addf %add3A_26, %mul3A_27 : vector<16xf32>
    %mul3A_29 = arith.mulf %scan3A_7#10, %scan3A_7#26 : vector<16xf32>
    %add3A_30 = arith.addf %add3A_28, %mul3A_29 : vector<16xf32>
    %mul3A_31 = arith.mulf %scan3A_7#11, %scan3A_7#27 : vector<16xf32>
    %add3A_32 = arith.addf %add3A_30, %mul3A_31 : vector<16xf32>
    %mul3A_33 = arith.mulf %scan3A_7#12, %scan3A_7#28 : vector<16xf32>
    %add3A_34 = arith.addf %add3A_32, %mul3A_33 : vector<16xf32>
    %mul3A_35 = arith.mulf %scan3A_7#13, %scan3A_7#29 : vector<16xf32>
    %add3A_36 = arith.addf %add3A_34, %mul3A_35 : vector<16xf32>
    %mul3A_37 = arith.mulf %scan3A_7#14, %scan3A_7#30 : vector<16xf32>
    %add3A_38 = arith.addf %add3A_36, %mul3A_37 : vector<16xf32>
    %mul3A_39 = arith.mulf %scan3A_7#15, %scan3A_7#31 : vector<16xf32>
    %add3A_40 = arith.addf %add3A_38, %mul3A_39 : vector<16xf32>
    %swap3A = arith.constant 0 : index
    %swap3A_41 = tpu.vector_load %arg9[%swap3A] {strides = array<i32>} : memref<32xf32, #tpu.memory_space<vmem>>, vector<16xf32>,
    %swap3A_42 = vector.shape_cast %swap3A_41 : vector<16xf32> to vector<16xf32>
    %swap3A_43 = vector.shape_cast %add3A_40 : vector<16xf32> to vector<16xf32>
    tpu.vector_store %arg9[%swap3A], %swap3A_43 {strides = array<i32>} : memref<32xf32, #tpu.memory_space<vmem>>, vector<16xf32>,
    %broadcast_in_dim3A_44 = arith.constant 0.000000e+00 : f32
    %broadcast_in_dim3A_45 = vector.broadcast %broadcast_in_dim3A_44 : f32 to vector<16xf32>
    %scan3A_46 = arith.constant 0 : i32
    %scan3A_47 = arith.constant 5 : i32
    %scan3A_48 = arith.addi %scan3A_46, %scan3A_47 : i32
    %scan3A_49 = arith.constant 1 : i32
    %scan3A_50:33 = scf.for %scan3A_88 = %scan3A_46 to %scan3A_48 step %scan3A_49 iter_args(%scan3A_89 = %broadcast_in_dim3A_45, %scan3A_90 = %broadcast_in_dim3A_45, %scan3A_91 = %broadcast_in_dim3A_45, %scan3A_92 = %broadcast_in_dim3A_45, %scan3A_93 = %broadcast_in_dim3A_45, %scan3A_94 = %broadcast_in_dim3A_45, %scan3A_95 = %broadcast_in_dim3A_45, %scan3A_96 = %broadcast_in_dim3A_45, %scan3A_97 = %broadcast_in_dim3A_45, %scan3A_98 = %broadcast_in_dim3A_45, %scan3A_99 = %broadcast_in_dim3A_45, %scan3A_100 = %broadcast_in_dim3A_45, %scan3A_101 = %broadcast_in_dim3A_45, %scan3A_102 = %broadcast_in_dim3A_45, %scan3A_103 = %broadcast_in_dim3A_45, %scan3A_104 = %broadcast_in_dim3A_45, %scan3A_105 = %broadcast_in_dim3A_45, %scan3A_106 = %broadcast_in_dim3A_45, %scan3A_107 = %broadcast_in_dim3A_45, %scan3A_108 = %broadcast_in_dim3A_45, %scan3A_109 = %broadcast_in_dim3A_45, %scan3A_110 = %broadcast_in_dim3A_45, %scan3A_111 = %broadcast_in_dim3A_45, %scan3A_112 = %broadcast_in_dim3A_45, %scan3A_113 = %broadcast_in_dim3A_45, %scan3A_114 = %broadcast_in_dim3A_45, %scan3A_115 = %broadcast_in_dim3A_45, %scan3A_116 = %broadcast_in_dim3A_45, %scan3A_117 = %broadcast_in_dim3A_45, %scan3A_118 = %broadcast_in_dim3A_45, %scan3A_119 = %broadcast_in_dim3A_45, %scan3A_120 = %broadcast_in_dim3A_45, %scan3A_121 = %broadcast_in_dim3A_45) -> (vector<16xf32>, vector<16xf32>, vector<16xf32>, vector<16xf32>, vector<16xf32>, vector<16xf32>, vector<16xf32>, vector<16xf32>, vector<16xf32>, vector<16xf32>, vector<16xf32>, vector<16xf32>, vector<16xf32>, vector<16xf32>, vector<16xf32>, vector<16xf32>, vector<16xf32>, vector<16xf32>, vector<16xf32>, vector<16xf32>, vector<16xf32>, vector<16xf32>, vector<16xf32>, vector<16xf32>, vector<16xf32>, vector<16xf32>, vector<16xf32>, vector<16xf32>, vector<16xf32>, vector<16xf32>, vector<16xf32>, vector<16xf32>, vector<16xf32>)  : i32 {
      %mul3A_122 = arith.constant 200 : i32
      %mul3A_123 = arith.muli %scan3A_88, %mul3A_122 : i32
      "tpu.region"() ({
        %run_scoped3A = tpu.sem_alloc : memref<!tpu.dma_semaphore, #tpu.memory_space<semaphore_mem>>
        %dma_start3A = arith.constant 0 : i32
        %dma_start3A_130 = tpu.memref_slice %arg2[%add3A, %mul3A_123, %dma_start3A] : memref<32x1000x32xf32, #tpu.memory_space<hbm>> -> memref<1x200x32xf32, #tpu.memory_space<hbm>>
        %dma_start3A_131 = tpu.memref_squeeze %dma_start3A_130 : memref<1x200x32xf32, #tpu.memory_space<hbm>> -> memref<200x32xf32, #tpu.memory_space<hbm>>
        %dma_start3A_132 = arith.constant 0 : i32
        %dma_start3A_133 = tpu.memref_slice %arg2[%add3A, %mul3A_123, %dma_start3A_132] : memref<32x1000x32xf32, #tpu.memory_space<hbm>> -> memref<1x200x32xf32, #tpu.memory_space<hbm>>
        %dma_start3A_134 = tpu.memref_squeeze %dma_start3A_133 : memref<1x200x32xf32, #tpu.memory_space<hbm>> -> memref<200x32xf32, #tpu.memory_space<hbm>>
        tpu.enqueue_dma source(%dma_start3A_134 : memref<200x32xf32, #tpu.memory_space<hbm>>) target(%arg6 : memref<200x32xf32, #tpu.memory_space<vmem>>) target_semaphore(%run_scoped3A : memref<!tpu.dma_semaphore, #tpu.memory_space<semaphore_mem>>)
        %dma_wait3A = arith.constant 0 : i32
        %dma_wait3A_135 = tpu.memref_slice %arg2[%add3A, %mul3A_123, %dma_wait3A] : memref<32x1000x32xf32, #tpu.memory_space<hbm>> -> memref<1x200x32xf32, #tpu.memory_space<hbm>>
        %dma_wait3A_136 = tpu.memref_squeeze %dma_wait3A_135 : memref<1x200x32xf32, #tpu.memory_space<hbm>> -> memref<200x32xf32, #tpu.memory_space<hbm>>
        %dma_wait3A_137 = arith.constant 0 : i32
        %dma_wait3A_138 = tpu.memref_slice %arg2[%add3A, %mul3A_123, %dma_wait3A_137] : memref<32x1000x32xf32, #tpu.memory_space<hbm>> -> memref<1x200x32xf32, #tpu.memory_space<hbm>>
        %dma_wait3A_139 = tpu.memref_squeeze %dma_wait3A_138 : memref<1x200x32xf32, #tpu.memory_space<hbm>> -> memref<200x32xf32, #tpu.memory_space<hbm>>
        tpu.wait_dma2 semaphore(%run_scoped3A : memref<!tpu.dma_semaphore, #tpu.memory_space<semaphore_mem>>) src(%dma_wait3A_139 : memref<200x32xf32, #tpu.memory_space<hbm>>) dst(%arg6 : memref<200x32xf32, #tpu.memory_space<vmem>>)
        tpu.yield
      }) : () -> ()
      "tpu.region"() ({
        %run_scoped3A = tpu.sem_alloc : memref<!tpu.dma_semaphore, #tpu.memory_space<semaphore_mem>>
        %dma_start3A = arith.constant 0 : i32
        %dma_start3A_130 = tpu.memref_slice %arg3[%add3A, %mul3A_123, %dma_start3A] : memref<32x1000x32xf32, #tpu.memory_space<hbm>> -> memref<1x200x32xf32, #tpu.memory_space<hbm>>
        %dma_start3A_131 = tpu.memref_squeeze %dma_start3A_130 : memref<1x200x32xf32, #tpu.memory_space<hbm>> -> memref<200x32xf32, #tpu.memory_space<hbm>>
        %dma_start3A_132 = arith.constant 0 : i32
        %dma_start3A_133 = tpu.memref_slice %arg3[%add3A, %mul3A_123, %dma_start3A_132] : memref<32x1000x32xf32, #tpu.memory_space<hbm>> -> memref<1x200x32xf32, #tpu.memory_space<hbm>>
        %dma_start3A_134 = tpu.memref_squeeze %dma_start3A_133 : memref<1x200x32xf32, #tpu.memory_space<hbm>> -> memref<200x32xf32, #tpu.memory_space<hbm>>
        tpu.enqueue_dma source(%dma_start3A_134 : memref<200x32xf32, #tpu.memory_space<hbm>>) target(%arg7 : memref<200x32xf32, #tpu.memory_space<vmem>>) target_semaphore(%run_scoped3A : memref<!tpu.dma_semaphore, #tpu.memory_space<semaphore_mem>>)
        %dma_wait3A = arith.constant 0 : i32
        %dma_wait3A_135 = tpu.memref_slice %arg3[%add3A, %mul3A_123, %dma_wait3A] : memref<32x1000x32xf32, #tpu.memory_space<hbm>> -> memref<1x200x32xf32, #tpu.memory_space<hbm>>
        %dma_wait3A_136 = tpu.memref_squeeze %dma_wait3A_135 : memref<1x200x32xf32, #tpu.memory_space<hbm>> -> memref<200x32xf32, #tpu.memory_space<hbm>>
        %dma_wait3A_137 = arith.constant 0 : i32
        %dma_wait3A_138 = tpu.memref_slice %arg3[%add3A, %mul3A_123, %dma_wait3A_137] : memref<32x1000x32xf32, #tpu.memory_space<hbm>> -> memref<1x200x32xf32, #tpu.memory_space<hbm>>
        %dma_wait3A_139 = tpu.memref_squeeze %dma_wait3A_138 : memref<1x200x32xf32, #tpu.memory_space<hbm>> -> memref<200x32xf32, #tpu.memory_space<hbm>>
        tpu.wait_dma2 semaphore(%run_scoped3A : memref<!tpu.dma_semaphore, #tpu.memory_space<semaphore_mem>>) src(%dma_wait3A_139 : memref<200x32xf32, #tpu.memory_space<hbm>>) dst(%arg7 : memref<200x32xf32, #tpu.memory_space<vmem>>)
        tpu.yield
      }) : () -> ()
      "tpu.region"() ({
        %run_scoped3A = tpu.sem_alloc : memref<!tpu.dma_semaphore, #tpu.memory_space<semaphore_mem>>
        %dma_start3A = arith.constant 0 : i32
        %dma_start3A_130 = tpu.memref_slice %arg4[%mul3A_123, %dma_start3A] : memref<1000x48xf32, #tpu.memory_space<hbm>> -> memref<200x48xf32, #tpu.memory_space<hbm>>
        %dma_start3A_131 = arith.constant 0 : i32
        %dma_start3A_132 = tpu.memref_slice %arg4[%mul3A_123, %dma_start3A_131] : memref<1000x48xf32, #tpu.memory_space<hbm>> -> memref<200x48xf32, #tpu.memory_space<hbm>>
        tpu.enqueue_dma source(%dma_start3A_132 : memref<200x48xf32, #tpu.memory_space<hbm>>) target(%arg8 : memref<200x48xf32, #tpu.memory_space<vmem>>) target_semaphore(%run_scoped3A : memref<!tpu.dma_semaphore, #tpu.memory_space<semaphore_mem>>)
        %dma_wait3A = arith.constant 0 : i32
        %dma_wait3A_133 = tpu.memref_slice %arg4[%mul3A_123, %dma_wait3A] : memref<1000x48xf32, #tpu.memory_space<hbm>> -> memref<200x48xf32, #tpu.memory_space<hbm>>
        %dma_wait3A_134 = arith.constant 0 : i32
        %dma_wait3A_135 = tpu.memref_slice %arg4[%mul3A_123, %dma_wait3A_134] : memref<1000x48xf32, #tpu.memory_space<hbm>> -> memref<200x48xf32, #tpu.memory_space<hbm>>
        tpu.wait_dma2 semaphore(%run_scoped3A : memref<!tpu.dma_semaphore, #tpu.memory_space<semaphore_mem>>) src(%dma_wait3A_135 : memref<200x48xf32, #tpu.memory_space<hbm>>) dst(%arg8 : memref<200x48xf32, #tpu.memory_space<vmem>>)
        tpu.yield
      }) : () -> ()
      %scan3A_124 = arith.constant 0 : i32
      %scan3A_125 = arith.constant 200 : i32
      %scan3A_126 = arith.addi %scan3A_124, %scan3A_125 : i32
      %scan3A_127 = arith.constant 1 : i32
      %scan3A_128:33 = scf.for %scan3A_130 = %scan3A_124 to %scan3A_126 step %scan3A_127 iter_args(%scan3A_131 = %scan3A_89, %scan3A_132 = %scan3A_90, %scan3A_133 = %scan3A_91, %scan3A_134 = %scan3A_92, %scan3A_135 = %scan3A_93, %scan3A_136 = %scan3A_94, %scan3A_137 = %scan3A_95, %scan3A_138 = %scan3A_96, %scan3A_139 = %scan3A_97, %scan3A_140 = %scan3A_98, %scan3A_141 = %scan3A_99, %scan3A_142 = %scan3A_100, %scan3A_143 = %scan3A_101, %scan3A_144 = %scan3A_102, %scan3A_145 = %scan3A_103, %scan3A_146 = %scan3A_104, %scan3A_147 = %scan3A_105, %scan3A_148 = %scan3A_106, %scan3A_149 = %scan3A_107, %scan3A_150 = %scan3A_108, %scan3A_151 = %scan3A_109, %scan3A_152 = %scan3A_110, %scan3A_153 = %scan3A_111, %scan3A_154 = %scan3A_112, %scan3A_155 = %scan3A_113, %scan3A_156 = %scan3A_114, %scan3A_157 = %scan3A_115, %scan3A_158 = %scan3A_116, %scan3A_159 = %scan3A_117, %scan3A_160 = %scan3A_118, %scan3A_161 = %scan3A_119, %scan3A_162 = %scan3A_120, %scan3A_163 = %scan3A_121) -> (vector<16xf32>, vector<16xf32>, vector<16xf32>, vector<16xf32>, vector<16xf32>, vector<16xf32>, vector<16xf32>, vector<16xf32>, vector<16xf32>, vector<16xf32>, vector<16xf32>, vector<16xf32>, vector<16xf32>, vector<16xf32>, vector<16xf32>, vector<16xf32>, vector<16xf32>, vector<16xf32>, vector<16xf32>, vector<16xf32>, vector<16xf32>, vector<16xf32>, vector<16xf32>, vector<16xf32>, vector<16xf32>, vector<16xf32>, vector<16xf32>, vector<16xf32>, vector<16xf32>, vector<16xf32>, vector<16xf32>, vector<16xf32>, vector<16xf32>)  : i32 {
        %get3A = arith.index_cast %scan3A_130 : i32 to index
        %get3A_164 = arith.constant 16 : index
        %get3A_165 = tpu.vector_load %arg6[%get3A, %get3A_164] {strides = array<i32>} : memref<200x32xf32, #tpu.memory_space<vmem>>, vector<1x16xf32>,
        %get3A_166 = vector.shape_cast %get3A_165 : vector<1x16xf32> to vector<16xf32>
        %get3A_167 = arith.index_cast %scan3A_130 : i32 to index
        %get3A_168 = arith.constant 16 : index
        %get3A_169 = tpu.vector_load %arg7[%get3A_167, %get3A_168] {strides = array<i32>} : memref<200x32xf32, #tpu.memory_space<vmem>>, vector<1x16xf32>,
        %get3A_170 = vector.shape_cast %get3A_169 : vector<1x16xf32> to vector<16xf32>
        %get3A_171 = arith.index_cast %scan3A_130 : i32 to index
        %get3A_172 = arith.constant 0 : index
        %get3A_173 = tpu.vector_load %arg8[%get3A_171, %get3A_172] {strides = array<i32>} : memref<200x48xf32, #tpu.memory_space<vmem>>, vector<1x16xf32>,
        %get3A_174 = vector.shape_cast %get3A_173 : vector<1x16xf32> to vector<16xf32>
        %get3A_175 = arith.index_cast %scan3A_130 : i32 to index
        %get3A_176 = arith.constant 16 : index
        %get3A_177 = tpu.vector_load %arg8[%get3A_175, %get3A_176] {strides = array<i32>} : memref<200x48xf32, #tpu.memory_space<vmem>>, vector<1x16xf32>,
        %get3A_178 = vector.shape_cast %get3A_177 : vector<1x16xf32> to vector<16xf32>
        %get3A_179 = arith.index_cast %scan3A_130 : i32 to index
        %get3A_180 = arith.constant 32 : index
        %get3A_181 = tpu.vector_load %arg8[%get3A_179, %get3A_180] {strides = array<i32>} : memref<200x48xf32, #tpu.memory_space<vmem>>, vector<1x16xf32>,
        %get3A_182 = vector.shape_cast %get3A_181 : vector<1x16xf32> to vector<16xf32>
        %slice3A = vector.extract_strided_slice %get3A_174 {offsets = [0], sizes = [1], strides = [1]} : vector<16xf32> to vector<1xf32>
        %squeeze3A = vector.extract %slice3A[0] : f32 from vector<1xf32>
        %mul3A_183 = vector.broadcast %squeeze3A : f32 to vector<16xf32>
        %mul3A_184 = arith.mulf %get3A_166, %mul3A_183 : vector<16xf32>
        %add3A_185 = arith.addf %scan3A_131, %mul3A_184 : vector<16xf32>
        %slice3A_186 = vector.extract_strided_slice %get3A_174 {offsets = [1], sizes = [1], strides = [1]} : vector<16xf32> to vector<1xf32>
        %squeeze3A_187 = vector.extract %slice3A_186[0] : f32 from vector<1xf32>
        %mul3A_188 = vector.broadcast %squeeze3A_187 : f32 to vector<16xf32>
        %mul3A_189 = arith.mulf %get3A_166, %mul3A_188 : vector<16xf32>
        %add3A_190 = arith.addf %scan3A_132, %mul3A_189 : vector<16xf32>
        %slice3A_191 = vector.extract_strided_slice %get3A_174 {offsets = [2], sizes = [1], strides = [1]} : vector<16xf32> to vector<1xf32>
        %squeeze3A_192 = vector.extract %slice3A_191[0] : f32 from vector<1xf32>
        %mul3A_193 = vector.broadcast %squeeze3A_192 : f32 to vector<16xf32>
        %mul3A_194 = arith.mulf %get3A_166, %mul3A_193 : vector<16xf32>
        %add3A_195 = arith.addf %scan3A_133, %mul3A_194 : vector<16xf32>
        %slice3A_196 = vector.extract_strided_slice %get3A_174 {offsets = [3], sizes = [1], strides = [1]} : vector<16xf32> to vector<1xf32>
        %squeeze3A_197 = vector.extract %slice3A_196[0] : f32 from vector<1xf32>
        %mul3A_198 = vector.broadcast %squeeze3A_197 : f32 to vector<16xf32>
        %mul3A_199 = arith.mulf %get3A_166, %mul3A_198 : vector<16xf32>
        %add3A_200 = arith.addf %scan3A_134, %mul3A_199 : vector<16xf32>
        %slice3A_201 = vector.extract_strided_slice %get3A_174 {offsets = [4], sizes = [1], strides = [1]} : vector<16xf32> to vector<1xf32>
        %squeeze3A_202 = vector.extract %slice3A_201[0] : f32 from vector<1xf32>
        %mul3A_203 = vector.broadcast %squeeze3A_202 : f32 to vector<16xf32>
        %mul3A_204 = arith.mulf %get3A_166, %mul3A_203 : vector<16xf32>
        %add3A_205 = arith.addf %scan3A_135, %mul3A_204 : vector<16xf32>
        %slice3A_206 = vector.extract_strided_slice %get3A_174 {offsets = [5], sizes = [1], strides = [1]} : vector<16xf32> to vector<1xf32>
        %squeeze3A_207 = vector.extract %slice3A_206[0] : f32 from vector<1xf32>
        %mul3A_208 = vector.broadcast %squeeze3A_207 : f32 to vector<16xf32>
        %mul3A_209 = arith.mulf %get3A_166, %mul3A_208 : vector<16xf32>
        %add3A_210 = arith.addf %scan3A_136, %mul3A_209 : vector<16xf32>
        %slice3A_211 = vector.extract_strided_slice %get3A_174 {offsets = [6], sizes = [1], strides = [1]} : vector<16xf32> to vector<1xf32>
        %squeeze3A_212 = vector.extract %slice3A_211[0] : f32 from vector<1xf32>
        %mul3A_213 = vector.broadcast %squeeze3A_212 : f32 to vector<16xf32>
        %mul3A_214 = arith.mulf %get3A_166, %mul3A_213 : vector<16xf32>
        %add3A_215 = arith.addf %scan3A_137, %mul3A_214 : vector<16xf32>
        %slice3A_216 = vector.extract_strided_slice %get3A_174 {offsets = [7], sizes = [1], strides = [1]} : vector<16xf32> to vector<1xf32>
        %squeeze3A_217 = vector.extract %slice3A_216[0] : f32 from vector<1xf32>
        %mul3A_218 = vector.broadcast %squeeze3A_217 : f32 to vector<16xf32>
        %mul3A_219 = arith.mulf %get3A_166, %mul3A_218 : vector<16xf32>
        %add3A_220 = arith.addf %scan3A_138, %mul3A_219 : vector<16xf32>
        %slice3A_221 = vector.extract_strided_slice %get3A_174 {offsets = [8], sizes = [1], strides = [1]} : vector<16xf32> to vector<1xf32>
        %squeeze3A_222 = vector.extract %slice3A_221[0] : f32 from vector<1xf32>
        %mul3A_223 = vector.broadcast %squeeze3A_222 : f32 to vector<16xf32>
        %mul3A_224 = arith.mulf %get3A_166, %mul3A_223 : vector<16xf32>
        %add3A_225 = arith.addf %scan3A_139, %mul3A_224 : vector<16xf32>
        %slice3A_226 = vector.extract_strided_slice %get3A_174 {offsets = [9], sizes = [1], strides = [1]} : vector<16xf32> to vector<1xf32>
        %squeeze3A_227 = vector.extract %slice3A_226[0] : f32 from vector<1xf32>
        %mul3A_228 = vector.broadcast %squeeze3A_227 : f32 to vector<16xf32>
        %mul3A_229 = arith.mulf %get3A_166, %mul3A_228 : vector<16xf32>
        %add3A_230 = arith.addf %scan3A_140, %mul3A_229 : vector<16xf32>
        %slice3A_231 = vector.extract_strided_slice %get3A_174 {offsets = [10], sizes = [1], strides = [1]} : vector<16xf32> to vector<1xf32>
        %squeeze3A_232 = vector.extract %slice3A_231[0] : f32 from vector<1xf32>
        %mul3A_233 = vector.broadcast %squeeze3A_232 : f32 to vector<16xf32>
        %mul3A_234 = arith.mulf %get3A_166, %mul3A_233 : vector<16xf32>
        %add3A_235 = arith.addf %scan3A_141, %mul3A_234 : vector<16xf32>
        %slice3A_236 = vector.extract_strided_slice %get3A_174 {offsets = [11], sizes = [1], strides = [1]} : vector<16xf32> to vector<1xf32>
        %squeeze3A_237 = vector.extract %slice3A_236[0] : f32 from vector<1xf32>
        %mul3A_238 = vector.broadcast %squeeze3A_237 : f32 to vector<16xf32>
        %mul3A_239 = arith.mulf %get3A_166, %mul3A_238 : vector<16xf32>
        %add3A_240 = arith.addf %scan3A_142, %mul3A_239 : vector<16xf32>
        %slice3A_241 = vector.extract_strided_slice %get3A_174 {offsets = [12], sizes = [1], strides = [1]} : vector<16xf32> to vector<1xf32>
        %squeeze3A_242 = vector.extract %slice3A_241[0] : f32 from vector<1xf32>
        %mul3A_243 = vector.broadcast %squeeze3A_242 : f32 to vector<16xf32>
        %mul3A_244 = arith.mulf %get3A_166, %mul3A_243 : vector<16xf32>
        %add3A_245 = arith.addf %scan3A_143, %mul3A_244 : vector<16xf32>
        %slice3A_246 = vector.extract_strided_slice %get3A_174 {offsets = [13], sizes = [1], strides = [1]} : vector<16xf32> to vector<1xf32>
        %squeeze3A_247 = vector.extract %slice3A_246[0] : f32 from vector<1xf32>
        %mul3A_248 = vector.broadcast %squeeze3A_247 : f32 to vector<16xf32>
        %mul3A_249 = arith.mulf %get3A_166, %mul3A_248 : vector<16xf32>
        %add3A_250 = arith.addf %scan3A_144, %mul3A_249 : vector<16xf32>
        %slice3A_251 = vector.extract_strided_slice %get3A_174 {offsets = [14], sizes = [1], strides = [1]} : vector<16xf32> to vector<1xf32>
        %squeeze3A_252 = vector.extract %slice3A_251[0] : f32 from vector<1xf32>
        %mul3A_253 = vector.broadcast %squeeze3A_252 : f32 to vector<16xf32>
        %mul3A_254 = arith.mulf %get3A_166, %mul3A_253 : vector<16xf32>
        %add3A_255 = arith.addf %scan3A_145, %mul3A_254 : vector<16xf32>
        %slice3A_256 = vector.extract_strided_slice %get3A_174 {offsets = [15], sizes = [1], strides = [1]} : vector<16xf32> to vector<1xf32>
        %squeeze3A_257 = vector.extract %slice3A_256[0] : f32 from vector<1xf32>
        %mul3A_258 = vector.broadcast %squeeze3A_257 : f32 to vector<16xf32>
        %mul3A_259 = arith.mulf %get3A_166, %mul3A_258 : vector<16xf32>
        %add3A_260 = arith.addf %scan3A_146, %mul3A_259 : vector<16xf32>
        %slice3A_261 = vector.extract_strided_slice %get3A_178 {offsets = [0], sizes = [1], strides = [1]} : vector<16xf32> to vector<1xf32>
        %squeeze3A_262 = vector.extract %slice3A_261[0] : f32 from vector<1xf32>
        %mul3A_263 = vector.broadcast %squeeze3A_262 : f32 to vector<16xf32>
        %mul3A_264 = arith.mulf %get3A_170, %mul3A_263 : vector<16xf32>
        %add3A_265 = arith.addf %scan3A_147, %mul3A_264 : vector<16xf32>
        %slice3A_266 = vector.extract_strided_slice %get3A_178 {offsets = [1], sizes = [1], strides = [1]} : vector<16xf32> to vector<1xf32>
        %squeeze3A_267 = vector.extract %slice3A_266[0] : f32 from vector<1xf32>
        %mul3A_268 = vector.broadcast %squeeze3A_267 : f32 to vector<16xf32>
        %mul3A_269 = arith.mulf %get3A_170, %mul3A_268 : vector<16xf32>
        %add3A_270 = arith.addf %scan3A_148, %mul3A_269 : vector<16xf32>
        %slice3A_271 = vector.extract_strided_slice %get3A_178 {offsets = [2], sizes = [1], strides = [1]} : vector<16xf32> to vector<1xf32>
        %squeeze3A_272 = vector.extract %slice3A_271[0] : f32 from vector<1xf32>
        %mul3A_273 = vector.broadcast %squeeze3A_272 : f32 to vector<16xf32>
        %mul3A_274 = arith.mulf %get3A_170, %mul3A_273 : vector<16xf32>
        %add3A_275 = arith.addf %scan3A_149, %mul3A_274 : vector<16xf32>
        %slice3A_276 = vector.extract_strided_slice %get3A_178 {offsets = [3], sizes = [1], strides = [1]} : vector<16xf32> to vector<1xf32>
        %squeeze3A_277 = vector.extract %slice3A_276[0] : f32 from vector<1xf32>
        %mul3A_278 = vector.broadcast %squeeze3A_277 : f32 to vector<16xf32>
        %mul3A_279 = arith.mulf %get3A_170, %mul3A_278 : vector<16xf32>
        %add3A_280 = arith.addf %scan3A_150, %mul3A_279 : vector<16xf32>
        %slice3A_281 = vector.extract_strided_slice %get3A_178 {offsets = [4], sizes = [1], strides = [1]} : vector<16xf32> to vector<1xf32>
        %squeeze3A_282 = vector.extract %slice3A_281[0] : f32 from vector<1xf32>
        %mul3A_283 = vector.broadcast %squeeze3A_282 : f32 to vector<16xf32>
        %mul3A_284 = arith.mulf %get3A_170, %mul3A_283 : vector<16xf32>
        %add3A_285 = arith.addf %scan3A_151, %mul3A_284 : vector<16xf32>
        %slice3A_286 = vector.extract_strided_slice %get3A_178 {offsets = [5], sizes = [1], strides = [1]} : vector<16xf32> to vector<1xf32>
        %squeeze3A_287 = vector.extract %slice3A_286[0] : f32 from vector<1xf32>
        %mul3A_288 = vector.broadcast %squeeze3A_287 : f32 to vector<16xf32>
        %mul3A_289 = arith.mulf %get3A_170, %mul3A_288 : vector<16xf32>
        %add3A_290 = arith.addf %scan3A_152, %mul3A_289 : vector<16xf32>
        %slice3A_291 = vector.extract_strided_slice %get3A_178 {offsets = [6], sizes = [1], strides = [1]} : vector<16xf32> to vector<1xf32>
        %squeeze3A_292 = vector.extract %slice3A_291[0] : f32 from vector<1xf32>
        %mul3A_293 = vector.broadcast %squeeze3A_292 : f32 to vector<16xf32>
        %mul3A_294 = arith.mulf %get3A_170, %mul3A_293 : vector<16xf32>
        %add3A_295 = arith.addf %scan3A_153, %mul3A_294 : vector<16xf32>
        %slice3A_296 = vector.extract_strided_slice %get3A_178 {offsets = [7], sizes = [1], strides = [1]} : vector<16xf32> to vector<1xf32>
        %squeeze3A_297 = vector.extract %slice3A_296[0] : f32 from vector<1xf32>
        %mul3A_298 = vector.broadcast %squeeze3A_297 : f32 to vector<16xf32>
        %mul3A_299 = arith.mulf %get3A_170, %mul3A_298 : vector<16xf32>
        %add3A_300 = arith.addf %scan3A_154, %mul3A_299 : vector<16xf32>
        %slice3A_301 = vector.extract_strided_slice %get3A_178 {offsets = [8], sizes = [1], strides = [1]} : vector<16xf32> to vector<1xf32>
        %squeeze3A_302 = vector.extract %slice3A_301[0] : f32 from vector<1xf32>
        %mul3A_303 = vector.broadcast %squeeze3A_302 : f32 to vector<16xf32>
        %mul3A_304 = arith.mulf %get3A_170, %mul3A_303 : vector<16xf32>
        %add3A_305 = arith.addf %scan3A_155, %mul3A_304 : vector<16xf32>
        %slice3A_306 = vector.extract_strided_slice %get3A_178 {offsets = [9], sizes = [1], strides = [1]} : vector<16xf32> to vector<1xf32>
        %squeeze3A_307 = vector.extract %slice3A_306[0] : f32 from vector<1xf32>
        %mul3A_308 = vector.broadcast %squeeze3A_307 : f32 to vector<16xf32>
        %mul3A_309 = arith.mulf %get3A_170, %mul3A_308 : vector<16xf32>
        %add3A_310 = arith.addf %scan3A_156, %mul3A_309 : vector<16xf32>
        %slice3A_311 = vector.extract_strided_slice %get3A_178 {offsets = [10], sizes = [1], strides = [1]} : vector<16xf32> to vector<1xf32>
        %squeeze3A_312 = vector.extract %slice3A_311[0] : f32 from vector<1xf32>
        %mul3A_313 = vector.broadcast %squeeze3A_312 : f32 to vector<16xf32>
        %mul3A_314 = arith.mulf %get3A_170, %mul3A_313 : vector<16xf32>
        %add3A_315 = arith.addf %scan3A_157, %mul3A_314 : vector<16xf32>
        %slice3A_316 = vector.extract_strided_slice %get3A_178 {offsets = [11], sizes = [1], strides = [1]} : vector<16xf32> to vector<1xf32>
        %squeeze3A_317 = vector.extract %slice3A_316[0] : f32 from vector<1xf32>
        %mul3A_318 = vector.broadcast %squeeze3A_317 : f32 to vector<16xf32>
        %mul3A_319 = arith.mulf %get3A_170, %mul3A_318 : vector<16xf32>
        %add3A_320 = arith.addf %scan3A_158, %mul3A_319 : vector<16xf32>
        %slice3A_321 = vector.extract_strided_slice %get3A_178 {offsets = [12], sizes = [1], strides = [1]} : vector<16xf32> to vector<1xf32>
        %squeeze3A_322 = vector.extract %slice3A_321[0] : f32 from vector<1xf32>
        %mul3A_323 = vector.broadcast %squeeze3A_322 : f32 to vector<16xf32>
        %mul3A_324 = arith.mulf %get3A_170, %mul3A_323 : vector<16xf32>
        %add3A_325 = arith.addf %scan3A_159, %mul3A_324 : vector<16xf32>
        %slice3A_326 = vector.extract_strided_slice %get3A_178 {offsets = [13], sizes = [1], strides = [1]} : vector<16xf32> to vector<1xf32>
        %squeeze3A_327 = vector.extract %slice3A_326[0] : f32 from vector<1xf32>
        %mul3A_328 = vector.broadcast %squeeze3A_327 : f32 to vector<16xf32>
        %mul3A_329 = arith.mulf %get3A_170, %mul3A_328 : vector<16xf32>
        %add3A_330 = arith.addf %scan3A_160, %mul3A_329 : vector<16xf32>
        %slice3A_331 = vector.extract_strided_slice %get3A_178 {offsets = [14], sizes = [1], strides = [1]} : vector<16xf32> to vector<1xf32>
        %squeeze3A_332 = vector.extract %slice3A_331[0] : f32 from vector<1xf32>
        %mul3A_333 = vector.broadcast %squeeze3A_332 : f32 to vector<16xf32>
        %mul3A_334 = arith.mulf %get3A_170, %mul3A_333 : vector<16xf32>
        %add3A_335 = arith.addf %scan3A_161, %mul3A_334 : vector<16xf32>
        %slice3A_336 = vector.extract_strided_slice %get3A_178 {offsets = [15], sizes = [1], strides = [1]} : vector<16xf32> to vector<1xf32>
        %squeeze3A_337 = vector.extract %slice3A_336[0] : f32 from vector<1xf32>
        %mul3A_338 = vector.broadcast %squeeze3A_337 : f32 to vector<16xf32>
        %mul3A_339 = arith.mulf %get3A_170, %mul3A_338 : vector<16xf32>
        %add3A_340 = arith.addf %scan3A_162, %mul3A_339 : vector<16xf32>
        %slice3A_341 = vector.extract_strided_slice %get3A_182 {offsets = [0], sizes = [1], strides = [1]} : vector<16xf32> to vector<1xf32>
        %squeeze3A_342 = vector.extract %slice3A_341[0] : f32 from vector<1xf32>
        %mul3A_343 = vector.broadcast %squeeze3A_342 : f32 to vector<16xf32>
        %mul3A_344 = arith.mulf %get3A_170, %mul3A_343 : vector<16xf32>
        %add3A_345 = arith.addf %scan3A_163, %mul3A_344 : vector<16xf32>
        scf.yield %add3A_185, %add3A_190, %add3A_195, %add3A_200, %add3A_205, %add3A_210, %add3A_215, %add3A_220, %add3A_225, %add3A_230, %add3A_235, %add3A_240, %add3A_245, %add3A_250, %add3A_255, %add3A_260, %add3A_265, %add3A_270, %add3A_275, %add3A_280, %add3A_285, %add3A_290, %add3A_295, %add3A_300, %add3A_305, %add3A_310, %add3A_315, %add3A_320, %add3A_325, %add3A_330, %add3A_335, %add3A_340, %add3A_345 : vector<16xf32>, vector<16xf32>, vector<16xf32>, vector<16xf32>, vector<16xf32>, vector<16xf32>, vector<16xf32>, vector<16xf32>, vector<16xf32>, vector<16xf32>, vector<16xf32>, vector<16xf32>, vector<16xf32>, vector<16xf32>, vector<16xf32>, vector<16xf32>, vector<16xf32>, vector<16xf32>, vector<16xf32>, vector<16xf32>, vector<16xf32>, vector<16xf32>, vector<16xf32>, vector<16xf32>, vector<16xf32>, vector<16xf32>, vector<16xf32>, vector<16xf32>, vector<16xf32>, vector<16xf32>, vector<16xf32>, vector<16xf32>, vector<16xf32>
      }
      %scan3A_129 = arith.constant 200 : i32
      scf.yield %scan3A_128#0, %scan3A_128#1, %scan3A_128#2, %scan3A_128#3, %scan3A_128#4, %scan3A_128#5, %scan3A_128#6, %scan3A_128#7, %scan3A_128#8, %scan3A_128#9, %scan3A_128#10, %scan3A_128#11, %scan3A_128#12, %scan3A_128#13, %scan3A_128#14, %scan3A_128#15, %scan3A_128#16, %scan3A_128#17, %scan3A_128#18, %scan3A_128#19, %scan3A_128#20, %scan3A_128#21, %scan3A_128#22, %scan3A_128#23, %scan3A_128#24, %scan3A_128#25, %scan3A_128#26, %scan3A_128#27, %scan3A_128#28, %scan3A_128#29, %scan3A_128#30, %scan3A_128#31, %scan3A_128#32 : vector<16xf32>, vector<16xf32>, vector<16xf32>, vector<16xf32>, vector<16xf32>, vector<16xf32>, vector<16xf32>, vector<16xf32>, vector<16xf32>, vector<16xf32>, vector<16xf32>, vector<16xf32>, vector<16xf32>, vector<16xf32>, vector<16xf32>, vector<16xf32>, vector<16xf32>, vector<16xf32>, vector<16xf32>, vector<16xf32>, vector<16xf32>, vector<16xf32>, vector<16xf32>, vector<16xf32>, vector<16xf32>, vector<16xf32>, vector<16xf32>, vector<16xf32>, vector<16xf32>, vector<16xf32>, vector<16xf32>, vector<16xf32>, vector<16xf32>
    }
    %scan3A_51 = arith.constant 5 : i32
    %mul3A_52 = arith.mulf %scan3A_50#0, %scan3A_50#16 : vector<16xf32>
    %add3A_53 = arith.addf %scan3A_50#32, %mul3A_52 : vector<16xf32>
    %mul3A_54 = arith.mulf %scan3A_50#1, %scan3A_50#17 : vector<16xf32>
    %add3A_55 = arith.addf %add3A_53, %mul3A_54 : vector<16xf32>
    %mul3A_56 = arith.mulf %scan3A_50#2, %scan3A_50#18 : vector<16xf32>
    %add3A_57 = arith.addf %add3A_55, %mul3A_56 : vector<16xf32>
    %mul3A_58 = arith.mulf %scan3A_50#3, %scan3A_50#19 : vector<16xf32>
    %add3A_59 = arith.addf %add3A_57, %mul3A_58 : vector<16xf32>
    %mul3A_60 = arith.mulf %scan3A_50#4, %scan3A_50#20 : vector<16xf32>
    %add3A_61 = arith.addf %add3A_59, %mul3A_60 : vector<16xf32>
    %mul3A_62 = arith.mulf %scan3A_50#5, %scan3A_50#21 : vector<16xf32>
    %add3A_63 = arith.addf %add3A_61, %mul3A_62 : vector<16xf32>
    %mul3A_64 = arith.mulf %scan3A_50#6, %scan3A_50#22 : vector<16xf32>
    %add3A_65 = arith.addf %add3A_63, %mul3A_64 : vector<16xf32>
    %mul3A_66 = arith.mulf %scan3A_50#7, %scan3A_50#23 : vector<16xf32>
    %add3A_67 = arith.addf %add3A_65, %mul3A_66 : vector<16xf32>
    %mul3A_68 = arith.mulf %scan3A_50#8, %scan3A_50#24 : vector<16xf32>
    %add3A_69 = arith.addf %add3A_67, %mul3A_68 : vector<16xf32>
    %mul3A_70 = arith.mulf %scan3A_50#9, %scan3A_50#25 : vector<16xf32>
    %add3A_71 = arith.addf %add3A_69, %mul3A_70 : vector<16xf32>
    %mul3A_72 = arith.mulf %scan3A_50#10, %scan3A_50#26 : vector<16xf32>
    %add3A_73 = arith.addf %add3A_71, %mul3A_72 : vector<16xf32>
    %mul3A_74 = arith.mulf %scan3A_50#11, %scan3A_50#27 : vector<16xf32>
    %add3A_75 = arith.addf %add3A_73, %mul3A_74 : vector<16xf32>
    %mul3A_76 = arith.mulf %scan3A_50#12, %scan3A_50#28 : vector<16xf32>
    %add3A_77 = arith.addf %add3A_75, %mul3A_76 : vector<16xf32>
    %mul3A_78 = arith.mulf %scan3A_50#13, %scan3A_50#29 : vector<16xf32>
    %add3A_79 = arith.addf %add3A_77, %mul3A_78 : vector<16xf32>
    %mul3A_80 = arith.mulf %scan3A_50#14, %scan3A_50#30 : vector<16xf32>
    %add3A_81 = arith.addf %add3A_79, %mul3A_80 : vector<16xf32>
    %mul3A_82 = arith.mulf %scan3A_50#15, %scan3A_50#31 : vector<16xf32>
    %add3A_83 = arith.addf %add3A_81, %mul3A_82 : vector<16xf32>
    %swap3A_84 = arith.constant 16 : index
    %swap3A_85 = tpu.vector_load %arg9[%swap3A_84] {strides = array<i32>} : memref<32xf32, #tpu.memory_space<vmem>>, vector<16xf32>,
    %swap3A_86 = vector.shape_cast %swap3A_85 : vector<16xf32> to vector<16xf32>
    %swap3A_87 = vector.shape_cast %add3A_83 : vector<16xf32> to vector<16xf32>
    tpu.vector_store %arg9[%swap3A_84], %swap3A_87 {strides = array<i32>} : memref<32xf32, #tpu.memory_space<vmem>>, vector<16xf32>,
    "tpu.region"() ({
      %run_scoped3A = tpu.sem_alloc : memref<!tpu.dma_semaphore, #tpu.memory_space<semaphore_mem>>
      %dma_start3A = tpu.memref_slice %arg5[%mul3A_2] : memref<1024xf32, #tpu.memory_space<hbm>> -> memref<32xf32, #tpu.memory_space<hbm>>
      %dma_start3A_88 = tpu.memref_slice %arg5[%mul3A_2] : memref<1024xf32, #tpu.memory_space<hbm>> -> memref<32xf32, #tpu.memory_space<hbm>>
      tpu.enqueue_dma source(%arg9 : memref<32xf32, #tpu.memory_space<vmem>>) target(%dma_start3A_88 : memref<32xf32, #tpu.memory_space<hbm>>) target_semaphore(%run_scoped3A : memref<!tpu.dma_semaphore, #tpu.memory_space<semaphore_mem>>)
      %dma_wait3A = tpu.memref_slice %arg5[%mul3A_2] : memref<1024xf32, #tpu.memory_space<hbm>> -> memref<32xf32, #tpu.memory_space<hbm>>
      %dma_wait3A_89 = tpu.memref_slice %arg5[%mul3A_2] : memref<1024xf32, #tpu.memory_space<hbm>> -> memref<32xf32, #tpu.memory_space<hbm>>
      tpu.wait_dma2 semaphore(%run_scoped3A : memref<!tpu.dma_semaphore, #tpu.memory_space<semaphore_mem>>) src(%arg9 : memref<32xf32, #tpu.memory_space<vmem>>) dst(%dma_wait3A_89 : memref<32xf32, #tpu.memory_space<hbm>>)
      tpu.yield
    }) : () -> ()
    return
  }
}

module attributes {stable_mosaic.version = 14 : i64} {
  func.func @_tc_body(%arg0: i32, %arg1: memref<1000x1024xf32, #tpu.memory_space<vmem>>, %arg2: memref<1000x1024xf32, #tpu.memory_space<vmem>>, %arg3: memref<16x1000xf32, #tpu.memory_space<vmem>>, %arg4: memref<16x1000xf32, #tpu.memory_space<vmem>>, %arg5: memref<1x1000xf32, #tpu.memory_space<vmem>>, %arg6: memref<1024xf32, #tpu.memory_space<vmem>>) attributes {dimension_semantics = [#tpu.dimension_semantics<arbitrary>], iteration_bounds = array<i64: 15>, scalar_prefetch = 0 : i64, scratch_operands = 0 : i64, tpu.core_type = #tpu.core_type<tc>, window_params = [{transform_indices = @transform_0, window_bounds = array<i64: 1000, 1024>}, {transform_indices = @transform_1, window_bounds = array<i64: 1000, 1024>}, {pipeline_mode = #tpu.pipeline_mode<synchronous>, transform_indices = @transform_2, window_bounds = array<i64: 16, 1000>}, {pipeline_mode = #tpu.pipeline_mode<synchronous>, transform_indices = @transform_3, window_bounds = array<i64: 16, 1000>}, {pipeline_mode = #tpu.pipeline_mode<synchronous>, transform_indices = @transform_4, window_bounds = array<i64: 1, 1000>}, {transform_indices = @transform_5, window_bounds = array<i64: 1024>}]} {
    %get3A = arith.constant 0 : index
    %get3A_0 = arith.constant 0 : index
    %get3A_1 = vector.load %arg1[%get3A, %get3A_0] : memref<1000x1024xf32, #tpu.memory_space<vmem>>, vector<1000x1024xf32>
    %get3A_2 = arith.constant 0 : index
    %get3A_3 = arith.constant 0 : index
    %get3A_4 = vector.load %arg2[%get3A_2, %get3A_3] : memref<1000x1024xf32, #tpu.memory_space<vmem>>, vector<1000x1024xf32>
    %get3A_5 = arith.constant 0 : index
    %get3A_6 = arith.constant 0 : index
    %get3A_7 = vector.load %arg3[%get3A_5, %get3A_6] : memref<16x1000xf32, #tpu.memory_space<vmem>>, vector<16x1000xf32>
    %dot_general3A = arith.constant dense<0.000000e+00> : vector<16x1024xf32>
    %dot_general3A_8 = tpu.matmul %get3A_7, %get3A_1, %dot_general3A {dimension_numbers = #tpu.dot_dimension_numbers<[1], [0], [0], [1], [0, 0, 1, 1], [], []>, transpose_lhs_hint = false} : vector<16x1000xf32>, vector<1000x1024xf32>, vector<16x1024xf32> -> vector<16x1024xf32>
    %get3A_9 = arith.constant 0 : index
    %get3A_10 = arith.constant 0 : index
    %get3A_11 = vector.load %arg4[%get3A_9, %get3A_10] : memref<16x1000xf32, #tpu.memory_space<vmem>>, vector<16x1000xf32>
    %dot_general3A_12 = arith.constant dense<0.000000e+00> : vector<16x1024xf32>
    %dot_general3A_13 = tpu.matmul %get3A_11, %get3A_4, %dot_general3A_12 {dimension_numbers = #tpu.dot_dimension_numbers<[1], [0], [0], [1], [0, 0, 1, 1], [], []>, transpose_lhs_hint = false} : vector<16x1000xf32>, vector<1000x1024xf32>, vector<16x1024xf32> -> vector<16x1024xf32>
    %get3A_14 = arith.constant 0 : index
    %get3A_15 = arith.constant 0 : index
    %get3A_16 = vector.load %arg5[%get3A_14, %get3A_15] : memref<1x1000xf32, #tpu.memory_space<vmem>>, vector<1x1000xf32>
    %dot_general3A_17 = arith.constant dense<0.000000e+00> : vector<1x1024xf32>
    %dot_general3A_18 = tpu.matmul %get3A_16, %get3A_4, %dot_general3A_17 {dimension_numbers = #tpu.dot_dimension_numbers<[1], [0], [0], [1], [0, 0, 1, 1], [], []>, transpose_lhs_hint = false} : vector<1x1000xf32>, vector<1000x1024xf32>, vector<1x1024xf32> -> vector<1x1024xf32>
    %mul3A = arith.mulf %dot_general3A_8, %dot_general3A_13 : vector<16x1024xf32>
    %reduce_sum3A = arith.constant dense<0.000000e+00> : vector<1024xf32>
    %reduce_sum3A_19 = vector.multi_reduction <add>, %mul3A, %reduce_sum3A [0] : vector<16x1024xf32> to vector<1024xf32>
    %squeeze3A = vector.shape_cast %dot_general3A_18 : vector<1x1024xf32> to vector<1024xf32>
    %add3A = arith.addf %reduce_sum3A_19, %squeeze3A : vector<1024xf32>
    %swap3A = arith.constant 0 : index
    %swap3A_20 = vector.load %arg6[%swap3A] : memref<1024xf32, #tpu.memory_space<vmem>>, vector<1024xf32>
    tpu.vector_store %arg6[%swap3A], %add3A {strides = array<i32>} : memref<1024xf32, #tpu.memory_space<vmem>>, vector<1024xf32>,
    return
  }
  func.func @transform_0(%arg0: i32) -> (i32, i32) {
    %c0_i32 = arith.constant 0 : i32
    %c0_i32_0 = arith.constant 0 : i32
    return %c0_i32, %arg0 : i32, i32
  }
  func.func @transform_1(%arg0: i32) -> (i32, i32) {
    %c0_i32 = arith.constant 0 : i32
    %c0_i32_0 = arith.constant 0 : i32
    return %c0_i32, %arg0 : i32, i32
  }
  func.func @transform_2(%arg0: i32) -> (i32, i32) {
    %c0_i32 = arith.constant 0 : i32
    %c0_i32_0 = arith.constant 0 : i32
    %c0_i32_1 = arith.constant 0 : i32
    return %c0_i32, %c0_i32_0 : i32, i32
  }
  func.func @transform_3(%arg0: i32) -> (i32, i32) {
    %c0_i32 = arith.constant 0 : i32
    %c0_i32_0 = arith.constant 0 : i32
    %c0_i32_1 = arith.constant 0 : i32
    return %c0_i32, %c0_i32_0 : i32, i32
  }
  func.func @transform_4(%arg0: i32) -> (i32, i32) {
    %c0_i32 = arith.constant 0 : i32
    %c0_i32_0 = arith.constant 0 : i32
    %c0_i32_1 = arith.constant 0 : i32
    return %c0_i32, %c0_i32_0 : i32, i32
  }
  func.func @transform_5(%arg0: i32) -> i32 {
    %c0_i32 = arith.constant 0 : i32
    return %arg0 : i32
  }
}

</mosaic_0001>

<sc_bundles>
// kernel: kernel.4.cloned.1.call-start
scs
__scs_entry_jumppad:
0x0: {  	(pc) =	sbr.rel $0x88, $3  }
0x1: {  	(tag) =	ssettag $0x0;
	lr =	simm.s32 $0x1  }
0x2: {  	[smem:$0x3F9C] =	sst lr;
	_ =	strace $0xD0000000  }
0x3: {  	_ = 	snop  }
0x4: {  	_ = 	snop  }
0x5: {  	_ = 	snop  }
0x6: {  	_ = 	snop  }
0x7: {  	_ = 	snop  }
__scs_overlays_trampoline_lowered:
0x8: {  	[smem:$0x3FAB] =	sst s0  }
0x9: {  	[smem:$0x3FAC] =	sst s1  }
0xa: {  	[smem:$0x3FAD] =	sst s2  }
0xb: {  	[smem:$0x3FAE] =	sst s3  }
0xc: {  	[smem:$0x3FAF] =	sst s4  }
0xd: {  	[smem:$0x3FB0] =	sst s5  }
0xe: {  	[smem:$0x3FB1] =	sst s6  }
0xf: {  	[smem:$0x3FB2] =	sst s7  }
0x10: {  	[smem:$0x3FB3] =	sst s8  }
0x11: {  	[smem:$0x3FB4] =	sst s9;
	s0 =	simm.s32 @!p0 $0x0  }
0x12: {  	s1 =	sld [smem:$0x3F9A];
	s0 =	simm.s32 @p0 $0x1  }
0x13: {  	[smem:$0x3FB5] =	sst s0;
	s0 =	simm.s32 @!p1 $0x0  }
0x14: {  	s2 =	sld [smem:$0x3F99];
	s0 =	simm.s32 @p1 $0x1  }
0x15: {  	[smem:$0x3FB6] =	sst s0;
	s0 =	simm.s32 @!p2 $0x0  }
0x16: {  	s3 =	sld [smem:$0x3FDB];
	s0 =	simm.s32 @p2 $0x1  }
0x17: {  	s4 =	simm.s32 $0x1BF5;
	[smem:$0x3FB8] =	sst s0  }
0x18: {  	s0 =	sld [smem:$0x3F9B];
	_ =	swait.ge [sflag:s4], $0x0  }
0x19: {  	s7 =	sld [smem:$0x3F9C]  }
0x1a: {  	s8 =	sadd.s32 $0xFFFFE003, lr  }
0x1b: {  	s9 =	sadd.s32 $0xFFFFFEF7, lr;
	s5 =	simm.s32 $0xFFFFFFFF;
	p2 =	slt.u32 s8, $0xFFFFF086  }
0x1c: {  	p1 =	slt.u32 s9, $0xF7A;
	s5 =	simm.s32 @!p2 $0x0  }
0x1d: {  	s5 =	simm.s32 @p1 $0x1;
	p0 =	seq.s32 s7, s2  }
0x1e: {  	s7 =	smul.u32 @!p0 $0xF7A, s2;
	p2 =	seq.s32 @!p0 s5, $0x0  }
0x1f: {  	s9 =	smul.u32 $0xF7A, s1;
	s8 =	simm.s32 @!p0 $0x1BF5;
	p2 =	por !p2, p0  }
0x20: {  	[sflag:s8] =	ssyncset.s32 @!p0 $0xFFFFF086;
	s6 =	sadd.s32 @!p0 s3, s7;
	s7 =	simm.s32 @!p0 $0x108  }
0x21: {  	s3 =	sadd.s32 s3, s9;
	s6 =	sadd.s32 @!p0 $0x88, s6;
	s7 =	simm.s32 @p2 $0x1082  }
0x22: {  	[simem:s7], [sflag:s8] =	dma.local @!p0 [hbm:s6], $0xF7A  }
0x23: {  	s9 =	sor.u32 $0xD0000000, s2;
	s6 =	simm.s32 $0x108;
	_ =	swait.ge @!p0 [sflag:s8], $0x0  }
0x24: {  	s3 =	sadd.s32 $0x88, s3;
	s6 =	simm.s32 @!p1 $0x1082;
	[sflag:s4] =	ssyncset.s32 $0xFFFFF086  }
0x25: {  	[simem:s6], [sflag:s4] =	dma.local [hbm:s3], $0xF7A  }
0x26: {  	[smem:$0x3F9C] =	sst s1;
	(tag) =	ssettag s2;
	_ =	strace s9  }
0x27: {  	s1 =	sld [smem:$0x3FAC]  }
0x28: {  	s2 =	sld [smem:$0x3FAD]  }
0x29: {  	s4 =	sld [smem:$0x3FAF]  }
0x2a: {  	p0 =	seq.s32 s5, $0x0;
	s5 =	sld [smem:$0x3FB0]  }
0x2b: {  	s6 =	sld [smem:$0x3FB1]  }
0x2c: {  	s7 =	sld [smem:$0x3FB2]  }
0x2d: {  	s3 =	simm.s32 $0x108;
	s8 =	sld [smem:$0x3FB3]  }
0x2e: {  	s3 =	simm.s32 @!p0 $0x1082;
	s9 =	sld [smem:$0x3FB4]  }
0x2f: {  	lr =	sadd.s32 s0, s3;
	s0 =	sld [smem:$0x3FAB]  }
0x30: {  	s3 =	sld [smem:$0x3FAE]  }
0x31: {  	[smem:$0x3FB7] =	sst s10  }
0x32: {  	s10 =	sld [smem:$0x3FB5];
	_ =	sdelay $0x3  }
0x33: {  	p0 =	seq.s32 s10, $0x1;
	s10 =	sld [smem:$0x3FB7];
	_ =	sdelay $0x3  }
0x34: {  	[smem:$0x3FB7] =	sst s10  }
0x35: {  	s10 =	sld [smem:$0x3FB6];
	_ =	sdelay $0x3  }
0x36: {  	p1 =	seq.s32 s10, $0x1;
	s10 =	sld [smem:$0x3FB7];
	_ =	sdelay $0x3  }
0x37: {  	[smem:$0x3FB7] =	sst s10  }
0x38: {  	s10 =	sld [smem:$0x3FB8]  }
0x39: {  	_ = 	snop;
	(pc) =	sbr.ind lr, $3  }
0x3a: {  	_ = 	snop  }
0x3b: {  	_ = 	snop  }
0x3c: {  	p2 =	seq.s32 s10, $0x1;
	s10 =	sld [smem:$0x3FB7]  }
0x3d: {  	_ =	shalt  }
0x3e: {  	_ =	shalt  }
0x3f: {  	_ =	shalt  }
0x40: {  	_ =	shalt  }
0x41: {  	_ =	shalt  }
0x42: {  	_ =	shalt  }
0x43: {  	_ =	shalt  }
0x44: {  	_ =	shalt  }
0x45: {  	_ =	shalt  }
0x46: {  	_ =	shalt  }
0x47: {  	_ =	shalt  }
0x48: {  	_ =	shalt  }
0x49: {  	_ =	shalt  }
0x4a: {  	_ =	shalt  }
0x4b: {  	_ =	shalt  }
0x4c: {  	_ =	shalt  }
0x4d: {  	_ =	shalt  }
0x4e: {  	_ =	shalt  }
0x4f: {  	_ =	shalt  }
0x50: {  	_ =	shalt  }
0x51: {  	_ =	shalt  }
0x52: {  	_ =	shalt  }
0x53: {  	_ =	shalt  }
0x54: {  	_ =	shalt  }
0x55: {  	_ =	shalt  }
0x56: {  	_ =	shalt  }
0x57: {  	_ =	shalt  }
0x58: {  	_ =	shalt  }
0x59: {  	_ =	shalt  }
0x5a: {  	_ =	shalt  }
0x5b: {  	_ =	shalt  }
0x5c: {  	_ =	shalt  }
0x5d: {  	_ =	shalt  }
0x5e: {  	_ =	shalt  }
0x5f: {  	_ =	shalt  }
0x60: {  	_ =	shalt  }
0x61: {  	_ =	shalt  }
0x62: {  	_ =	shalt  }
0x63: {  	_ =	shalt  }
0x64: {  	_ =	shalt  }
0x65: {  	_ =	shalt  }
0x66: {  	_ =	shalt  }
0x67: {  	_ =	shalt  }
0x68: {  	_ =	shalt  }
0x69: {  	_ =	shalt  }
0x6a: {  	_ =	shalt  }
0x6b: {  	_ =	shalt  }
0x6c: {  	_ =	shalt  }
0x6d: {  	_ =	shalt  }
0x6e: {  	_ =	shalt  }
0x6f: {  	_ =	shalt  }
0x70: {  	_ =	shalt  }
0x71: {  	_ =	shalt  }
0x72: {  	_ =	shalt  }
0x73: {  	_ =	shalt  }
0x74: {  	_ =	shalt  }
0x75: {  	_ =	shalt  }
0x76: {  	_ =	shalt  }
0x77: {  	_ =	shalt  }
0x78: {  	_ =	shalt  }
0x79: {  	_ =	shalt  }
0x7a: {  	_ =	shalt  }
0x7b: {  	_ =	shalt  }
0x7c: {  	_ =	shalt  }
0x7d: {  	_ =	shalt  }
0x7e: {  	_ =	shalt  }
0x7f: {  	_ =	shalt  }
0x80: {  	_ =	shalt  }
0x81: {  	_ =	shalt  }
0x82: {  	_ =	shalt  }
0x83: {  	_ =	shalt  }
0x84: {  	_ =	shalt  }
0x85: {  	_ =	shalt  }
0x86: {  	_ =	shalt  }
0x87: {  	_ =	shalt  }
.Lfunc_end0:
.L_simem_size_0:
called_computation_lowered:
.L_overlay_start_0:
0x88: {  	s2 =	sld [smem:$0x3FD9]  }
0x89: {  	s3 =	sld [smem:$0x3FFE];
	_ =	sdelay $0x1  }
0x8a: {  	s1 =	srdreg.scid  }
0x8b: {  	s0 =	sand.u32 $0x1, s1  }
0x8c: {  	s16 =	sshll.u32 s0, $0xA;
	s2 =	sadd.s32 s3, s2  }
0x8d: {  	s2 =	sadd.s32 s2, s16  }
0x8e: {  	[smem:$0x3FC3] =	sst s2  }
0x8f: {  	_ = 	snop  }
0x90: {  	(tm) =	ssettm $0x1  }
0x91: {  	s17 =	sld [smem:$0x3FFB];
	_ =	sdelay $0x3  }
0x92: {  	_ =	strace s17  }
0x93: {  	s2 =	sld [smem:$0x3FFC];
	_ =	sdelay $0x3  }
0x94: {  	_ =	strace s2  }
0x95: {  	s2 =	sld [smem:$0x3FFD];
	_ =	sdelay $0x3  }
0x96: {  	_ =	strace s2  }
0x97: {  	_ =	strace $0x8FFFFFFF  }
0x98: {  	s18 =	sld [smem:$0x3FDB];
	_ =	sdelay $0x1  }
0x99: {  	s19 =	simm.s32 $_scs_section_size  }
0x9a: {  	s4 =	simm.s32 $_size__tile_overlayer_lowered;
	s5 =	simm.s32 $_tile_overlayer_lowered  }
0x9b: {  	s22 =	simm.s32 $0x1BFF;
	s21 =	sshll.u32 s5, $0x1;
	s2 =	sadd.s32 s19, s18  }
0x9c: {  	s6 =	simm.s32 $0x0;
	s20 =	sshll.u32 s4, $0x1;
	s4 =	sadd.s32 s21, s2  }
0x9d: {  	[timem:s6], [sflag:s22] =	dma.local [hbm:s4], s20  }
0x9e: {  	_ =	swait.ge [sflag:s22], s20  }
0x9f: {  	s3 =	ssub.s32 $0x0, s20;
	[sflag:s22] =	ssyncset.done $0x0  }
0xa0: {  	[sflag:s22] =	ssyncadd.s32 s3;
	_ =	sdelay $0x1  }
0xa1: {  	s23 =	simm.s32 $0x1B8B  }
0xa2: {  	_ =	swait.ge [sflag:s23], $0x1  }
0xa3: {  	[sflag:s23] =	ssyncset.done $0x0  }
0xa4: {  	s25 =	simm.s32 $0x1B8E;
	s24 =	sld [smem:$0x3FFE];
	[sflag:s23] =	ssyncadd.s32 $0xFFFFFFFF  }
0xa5: {  	s26 =	simm.s32 $execute0_lowered;
	[smem:$0x3FD2] =	sst s25  }
0xa6: {  	s4 =	sshll.u32 s26, $0x1;
	_ =	strace $0x80000046;
	[dreg:$0x1] =	wrdreg $0xFFFFFFFF  }
0xa7: {  	s28 =	simm.s32 $_size_execute0_lowered;
	s2 =	sadd.s32 s2, s4;
	[dreg:$0x0] =	wrdreg $0x0  }
0xa8: {  	s4 =	sshll.u32 s28, $0x1;
	[dreg:$0x2] =	wrdreg s2  }
0xa9: {  	[dreg:$0x3] =	wrdreg s4  }
0xaa: {  	[dreg:$0x4] =	wrdreg $0xC0  }
0xab: {  	_ =	task [dreg:s6], $0x5FFFF  }
0xac: {  	[dreg:$0x1] =	wrdreg $0xFFFFFFFF  }
0xad: {  	[dreg:$0x0] =	wrdreg $0x60  }
0xae: {  	[dreg:$0x2] =	wrdreg s24  }
0xaf: {  	[dreg:$0x3] =	wrdreg $0x9  }
0xb0: {  	_ =	task.clear_ibuf [dreg:s6], $0x4FFFF;
	_ =	strace $0x90000046  }
0xb1: {  	s29 =	simm.s32 $0x9;
	_ =	strace $0x80000048  }
0xb2: {  	_ =	swait.ge [sflag:s29], $0x1  }
0xb3: {  	[sflag:s29] =	ssyncadd.s32 $0xFFFFFFFF  }
0xb4: {  	_ =	strace $0x90000048  }
0xb5: {  	_ =	sfence  }
0xb6: {  	s30 =	sld [smem:$0x0];
	_ =	sdelay $0x2  }
0xb7: {  	s31 =	sshll.u32 s1, $0xD;
	s1 =	sshrl.u32 s1, $0x2  }
0xb8: {  	s3 =	sand.u32 $0x4000, s31;
	s1 =	sadd.s32 s1, s30  }
0xb9: {  	s0 =	sor.u32 s3, s0;
	s1 =	sshll.u32 s1, $0x11  }
0xba: {  	s0 =	sor.u32 s1, s0  }
0xbb: {  	s0 =	sadd.s32 $0x8F2B, s0  }
0xbc: {  	[sflag:s0] =	ssyncadd.remote.s32 $0x1  }
0xbd: {  	_ =	sfence.sel $0xFFFF  }
0xbe: {  	[dreg:$0x0] =	wrdreg $0xFFFFFFFF;
	(pc) =	sbr.abs _section_cstart, $3  }
0xbf: {  	[dreg:$0x1] =	wrdreg $0xFFFFFFFF  }
0xc0: {  	_ =	task.clear_ibuf [dreg:s6], $0x2FFFF;
	_ =	strace $0x9FFFFFFF  }
0xc1: {  	(tm) =	ssettm $0x7FFFFFFF  }
tec
execute0_lowered:
.L_overlay_start_1:
0x0: {  	(tag) =	ssettag $0x1  }
0x1: {  	s6 =	rddreg [dreg:$0x0]  }
0x2: {  	s0 =	rddreg [dreg:$0x1]  }
0x3: {  	s2 =	simm.s32 $0x0;
	s3 =	srdreg.scid;
	s1 =	stileid.u32  }
0x4: {  	s10 =	simm.s32 $0x6400;
	s11 =	simm.s32 $0xC800;
	s12 =	simm.s32 $0x12C00  }
0x5: {  	s13 =	simm.s32 $0x0;
	[smem:$0x7FF] =	sst s2;
	s5 =	sand.u32 $0x1, s3  }
0x6: {  	s4 =	sshll.u32 s1, $0x1;
	s3 =	sadd.s32 $0xA00, s6;
	_ =	strace $0x80000047  }
0x7: {  	s7 =	sor.u32 s5, s4;
	s4 =	sadd.s32 $0x7DA00, s6;
	s9 =	ssub.s32 $0x2, s5  }
0x8: {  	s5 =	sadd.s32 $0xFAA00, s6;
	s8 =	sshll.u32 s7, $0x2;
	s31 =	sshrl.u32 s9, $0x1  }
0x9: {  	s8 =	sadd.s32 s8, s6;
	s9 =	ssub.s32 s9, s31;
	s6 =	smul.u32 $0x1F400, s7  }
0xa: {  	s7 =	sadd.s32 $0xFEA00, s8;
	s8 =	smax.u32 s9, $0x1;
	s9 =	simm.s32 $0x1  }
.LBB2_1:
0xb: {  	v20 =	vimm.f32 $0.0e+00;
	v22 =	vimm.f32 $0.0e+00;
	v5 =	vimm.f32 $0.0e+00  }
0xc: {  	v6 =	vimm.f32 $0.0e+00;
	v8 =	vimm.f32 $0.0e+00;
	v9 =	vimm.f32 $0.0e+00  }
0xd: {  	v11 =	vimm.f32 $0.0e+00;
	v13 =	vimm.f32 $0.0e+00;
	v14 =	vimm.f32 $0.0e+00  }
0xe: {  	v16 =	vimm.f32 $0.0e+00;
	v18 =	vimm.f32 $0.0e+00;
	v19 =	vimm.f32 $0.0e+00  }
0xf: {  	v17 =	vimm.f32 $0.0e+00;
	v21 =	vimm.f32 $0.0e+00;
	v40 =	vimm.f32 $0.0e+00  }
0x10: {  	v42 =	vimm.f32 $0.0e+00;
	v44 =	vimm.f32 $0.0e+00;
	v58 =	vimm.f32 $0.0e+00  }
0x11: {  	v7 =	vimm.f32 $0.0e+00;
	v10 =	vimm.f32 $0.0e+00;
	v12 =	vimm.f32 $0.0e+00  }
0x12: {  	v43 =	vimm.f32 $0.0e+00;
	v45 =	vimm.f32 $0.0e+00;
	v3 =	vimm.f32 $0.0e+00  }
0x13: {  	v46 =	vimm.f32 $0.0e+00;
	v47 =	vimm.f32 $0.0e+00;
	v31 =	vimm.f32 $0.0e+00  }
0x14: {  	v30 =	vimm.f32 $0.0e+00;
	v29 =	vimm.f32 $0.0e+00;
	v28 =	vimm.f32 $0.0e+00  }
0x15: {  	v27 =	vimm.f32 $0.0e+00;
	v26 =	vimm.f32 $0.0e+00;
	v25 =	vimm.f32 $0.0e+00;
	s14 =	simm.s32 $0x0  }
.LBB2_2:
0x16: {  	s15 =	smul.u32 $0x6400, s14;
	_ =	sdelay $0x1  }
0x17: {  	[tilespmem:$0x1FFE0] =	vst v7;
	s16 =	sadd.s32 s6, s15  }
0x18: {  	[tilespmem:$0x1FFF0] =	vst v10;
	s16 =	sshrl.u32 s16, $0x3  }
0x19: {  	[tilespmem:$0x1FFB0] =	vst v16;
	s18 =	simm.s32 $0x0;
	s17 =	sadd.s32 s3, s16  }
0x1a: {  	[tilespmem:s18], [sflag:$0x1] =	stream.linear.gather [hbm4b:s17+s18], $0x6400, $0x38;
	[tilespmem:$0x12C80] =	vst v63  }
0x1b: {  	_ =	swait.ge [sflag:s9], $0x6400  }
0x1c: {  	[sflag:s9] =	ssyncset.done $0x0  }
0x1d: {  	s16 =	sadd.s32 s4, s16;
	[sflag:s9] =	ssyncadd.s32 $0xFFFF9C00  }
0x1e: {  	[tilespmem:s10], [sflag:$0x1] =	stream.linear.gather [hbm4b:s16+s18], $0x6400, $0x38;
	[tilespmem:$0x12C80] =	vst v63  }
0x1f: {  	_ =	swait.ge [sflag:s9], $0x6400  }
0x20: {  	s15 =	sshrl.u32 s15, $0x3;
	[sflag:s9] =	ssyncset.done $0x0  }
0x21: {  	s15 =	sadd.s32 s5, s15;
	[sflag:s9] =	ssyncadd.s32 $0xFFFF9C00  }
0x22: {  	[tilespmem:s11], [sflag:$0x1] =	stream.linear.gather [hbm4b:s15+s18], $0x6400, $0x38;
	[tilespmem:$0x12C80] =	vst v63  }
0x23: {  	_ =	swait.ge [sflag:s9], $0x6400  }
0x24: {  	[sflag:s9] =	ssyncset.done $0x0  }
0x25: {  	s31 =	simm.s32 $0x0;
	[sflag:s9] =	ssyncadd.s32 $0xFFFF9C00  }
0x26: {  	v34 =	vld [tilespmem:s31+$0xC810]  }
0x27: {  	v35 =	vld [tilespmem:s31+$0xC800];
	_ =	sdelay $0x3  }
0x28: {  	v23 =	vbroadcast v34, $0x0;
	v36 =	vbroadcast v34, $0xF  }
0x29: {  	v4 =	vmov v44;
	v37 =	vbroadcast v35, $0x0;
	v44 =	vbroadcast v35, $0x1  }
0x2a: {  	v16 =	vmovc v21;
	v21 =	vmovc v45;
	v7 =	vmov v47;
	v45 =	vbroadcast v35, $0x2;
	v47 =	vbroadcast v35, $0x3  }
0x2b: {  	v48 =	vbroadcast v35, $0x4;
	v49 =	vbroadcast v35, $0x5  }
0x2c: {  	v50 =	vbroadcast v35, $0x6;
	v51 =	vbroadcast v35, $0x7  }
0x2d: {  	v52 =	vbroadcast v35, $0x8;
	v53 =	vbroadcast v35, $0x9  }
0x2e: {  	v54 =	vbroadcast v35, $0xA;
	v56 =	vbroadcast v35, $0xB  }
0x2f: {  	v57 =	vbroadcast v35, $0xC;
	v1 =	vbroadcast v35, $0xD  }
0x30: {  	v59 =	vbroadcast v35, $0xE;
	v60 =	vbroadcast v35, $0xF  }
0x31: {  	v33 =	vld [tilespmem:s31+$0x6400];
	v61 =	vbroadcast v34, $0x1;
	v62 =	vbroadcast v34, $0x2  }
0x32: {  	v15 =	vmovc v17;
	v17 =	vmov v43;
	v32 =	vld [tilespmem:s31+$0x0];
	v63 =	vbroadcast v34, $0x3;
	v43 =	vbroadcast v34, $0x4  }
0x33: {  	v0 =	vbroadcast v34, $0x5;
	v41 =	vbroadcast v34, $0x7  }
0x34: {  	v2 =	vmov v42;
	v42 =	vbroadcast v34, $0x8;
	v38 =	vbroadcast v34, $0x9  }
0x35: {  	v39 =	vbroadcast v34, $0xC;
	v35 =	vbroadcast v34, $0xD  }
0x36: {  	v10 =	vmov v46;
	v46 =	vmul.f32 v36, v33;
	[tilespmem:$0x1FFC0] =	vst v0;
	v0 =	vbroadcast v34, $0x6  }
0x37: {  	v36 =	vbroadcast v34, $0xB;
	v55 =	vmul.f32 v37, v32  }
0x38: {  	v37 =	vbroadcast v34, $0xE;
	v48 =	vmul.f32 v48, v32  }
0x39: {  	v49 =	vmul.f32 v49, v32;
	v24 =	vmul.f32 v52, v32  }
0x3a: {  	v52 =	vmul.f32 v1, v32;
	v25 =	vadd.f32 v55, v25;
	v55 =	vmul.f32 v47, v32  }
0x3b: {  	v1 =	vld [tilespmem:$0x1FFC0];
	v47 =	vmul.f32 v50, v32;
	v50 =	vmul.f32 v59, v32  }
0x3c: {  	[tilespmem:$0x1FFD0] =	vst v0;
	v0 =	vmov v40;
	v40 =	vbroadcast v34, $0xA;
	v34 =	vmul.f32 v44, v32  }
0x3d: {  	v44 =	vmul.f32 v45, v32;
	v45 =	vmul.f32 v53, v32  }
0x3e: {  	v28 =	vadd.f32 v55, v28;
	v55 =	vmul.f32 v54, v32;
	v54 =	vmul.f32 v56, v32  }
0x3f: {  	v53 =	vmul.f32 v57, v32;
	v27 =	vadd.f32 v44, v27;
	v44 =	vmul.f32 v51, v32  }
0x40: {  	v51 =	vmul.f32 v60, v32;
	v32 =	vadd.f32 v45, v3;
	v45 =	vmul.f32 v1, v33;
	v1 =	vld [tilespmem:$0x1FFD0]  }
0x41: {  	v22 =	vadd.f32 v46, v22  }
0x42: {  	v43 =	vmul.f32 v43, v33;
	v29 =	vadd.f32 v48, v29;
	v30 =	vadd.f32 v49, v30  }
0x43: {  	v48 =	vmul.f32 v23, v33;
	v49 =	vmul.f32 v61, v33;
	v24 =	vadd.f32 v24, v10;
	v10 =	vld [tilespmem:$0x1FFF0]  }
0x44: {  	v46 =	vmul.f32 v63, v33;
	v31 =	vadd.f32 v47, v31;
	v26 =	vadd.f32 v34, v26;
	v34 =	vld.msk [tilespmem:s31+$0xC820 ss:$0x0], $0xffff  }
0x45: {  	s16 =	simm.s32 $0x80;
	s15 =	simm.s32 $0x400;
	v47 =	vmul.f32 v62, v33;
	v23 =	vadd.f32 v44, v7;
	v7 =	vld [tilespmem:$0x1FFE0];
	v44 =	vmul.f32 v1, v33  }
.LBB2_3:
0x46: {  	v41 =	vmul.f32 v41, v33;
	v42 =	vmul.f32 v42, v33  }
0x47: {  	v56 =	vld [tilespmem:s16+$0xC810];
	v38 =	vmul.f32 v38, v33;
	v40 =	vmul.f32 v40, v33  }
0x48: {  	v17 =	vadd.f32 v54, v17;
	v36 =	vmul.f32 v36, v33;
	v39 =	vmul.f32 v39, v33  }
0x49: {  	v35 =	vmul.f32 v35, v33;
	v0 =	vadd.f32 v47, v0;
	v21 =	vadd.f32 v55, v21  }
0x4a: {  	v37 =	vmul.f32 v37, v33;
	v10 =	vadd.f32 v52, v10;
	v7 =	vadd.f32 v50, v7  }
0x4b: {  	v50 =	vmul.f32 v34, v33;
	v4 =	vadd.f32 v48, v4;
	v14 =	vadd.f32 v42, v14  }
0x4c: {  	v55 =	vld [tilespmem:s16+$0xC800];
	v13 =	vadd.f32 v38, v13;
	v11 =	vadd.f32 v40, v11;
	v1 =	vbroadcast v56, $0x0  }
0x4d: {  	v9 =	vadd.f32 v36, v9;
	v3 =	vbroadcast v56, $0x4;
	v42 =	vbroadcast v56, $0x5  }
0x4e: {  	v62 =	vld [tilespmem:s16+$0x6400];
	v8 =	vadd.f32 v39, v8;
	v38 =	vbroadcast v56, $0x9;
	v40 =	vbroadcast v56, $0xA  }
0x4f: {  	v6 =	vadd.f32 v35, v6;
	v36 =	vbroadcast v56, $0xB;
	v39 =	vbroadcast v56, $0xC  }
0x50: {  	v5 =	vadd.f32 v37, v5;
	v35 =	vbroadcast v56, $0xD;
	v37 =	vbroadcast v56, $0xE  }
0x51: {  	v2 =	vadd.f32 v49, v2;
	v48 =	vbroadcast v55, $0x0;
	[tilespmem:$0x1FF60] =	vst v1;
	v1 =	vbroadcast v56, $0xF  }
0x52: {  	v58 =	vadd.f32 v51, v58;
	v51 =	vbroadcast v55, $0x1;
	v49 =	vbroadcast v55, $0x2  }
0x53: {  	v16 =	vadd.f32 v46, v16;
	v47 =	vbroadcast v55, $0x3;
	v1 =	vmul.f32 v1, v62  }
0x54: {  	v63 =	vld.msk [tilespmem:s16+$0xC820 ss:$0x0], $0xffff;
	v12 =	vadd.f32 v53, v12;
	v52 =	vbroadcast v55, $0x4;
	v46 =	vbroadcast v55, $0x5  }
0x55: {  	v54 =	vbroadcast v55, $0x6;
	v53 =	vbroadcast v55, $0x7;
	v22 =	vadd.f32 v1, v22;
	v1 =	vld [tilespmem:$0x1FFB0]  }
0x56: {  	v57 =	vld [tilespmem:s16+$0x0];
	v15 =	vadd.f32 v43, v15;
	v59 =	vbroadcast v55, $0x8;
	v43 =	vbroadcast v55, $0x9  }
0x57: {  	v19 =	vadd.f32 v45, v19;
	v60 =	vbroadcast v55, $0xA;
	v45 =	vbroadcast v55, $0xB  }
0x58: {  	v18 =	vadd.f32 v44, v18;
	[tilespmem:$0x1FF90] =	vst v12;
	v61 =	vbroadcast v55, $0xC;
	v44 =	vbroadcast v55, $0xD  }
0x59: {  	v34 =	vmov v63;
	[tilespmem:$0x1FF80] =	vst v58;
	v63 =	vbroadcast v55, $0xF;
	v12 =	vbroadcast v56, $0x1  }
0x5a: {  	v58 =	vbroadcast v56, $0x3;
	[tilespmem:$0x1FF70] =	vst v42;
	v42 =	vbroadcast v56, $0x8;
	v1 =	vadd.f32 v41, v1  }
0x5b: {  	v48 =	vmul.f32 v48, v57;
	v49 =	vmul.f32 v49, v57  }
0x5c: {  	v47 =	vmul.f32 v47, v57;
	[tilespmem:$0x1FFB0] =	vst v1;
	v1 =	vbroadcast v56, $0x2  }
0x5d: {  	v33 =	vmov v62;
	v46 =	vmul.f32 v46, v57;
	v62 =	vbroadcast v55, $0xE  }
0x5e: {  	v55 =	vbroadcast v56, $0x6;
	v28 =	vadd.f32 v47, v28;
	v47 =	vmul.f32 v1, v33;
	v1 =	vld [tilespmem:$0x1FF70]  }
0x5f: {  	v25 =	vadd.f32 v48, v25;
	v48 =	vmul.f32 v52, v57;
	v41 =	vbroadcast v56, $0x7  }
0x60: {  	v56 =	vmul.f32 v51, v57;
	v51 =	vmul.f32 v54, v57  }
0x61: {  	v27 =	vadd.f32 v49, v27;
	v49 =	vmul.f32 v53, v57;
	v53 =	vmul.f32 v61, v57  }
0x62: {  	v52 =	vmul.f32 v44, v57;
	[tilespmem:$0x1FFA0] =	vst v55;
	v31 =	vadd.f32 v51, v31;
	v51 =	vmul.f32 v63, v57;
	v63 =	vld [tilespmem:$0x1FF60]  }
0x63: {  	p0 =	sne.s32 s15, $0x18E00;
	v20 =	vadd.f32 v50, v20;
	v54 =	vmul.f32 v45, v57;
	v45 =	vmul.f32 v1, v33;
	v1 =	vld [tilespmem:$0x1FFA0]  }
.Ltmp0:
0x64: {  	v30 =	vadd.f32 v46, v30;
	v46 =	vmul.f32 v58, v33;
	v55 =	vmul.f32 v60, v57;
	(pc) =	sbr.rel @p0 .LBB2_3-.Ltmp0, $4  }
0x65: {  	v50 =	vmul.f32 v62, v57;
	v26 =	vadd.f32 v56, v26;
	v56 =	vmul.f32 v59, v57  }
0x66: {  	v29 =	vadd.f32 v48, v29;
	v23 =	vadd.f32 v49, v23;
	v59 =	vmul.f32 v43, v57  }
0x67: {  	v58 =	vld [tilespmem:$0x1FF80];
	v49 =	vmul.f32 v12, v33;
	v43 =	vmul.f32 v3, v33;
	v24 =	vadd.f32 v56, v24  }
0x68: {  	s16 =	sshra.s32 s15, $0x2;
	s15 =	sadd.s32 $0x200, s15;
	v12 =	vld [tilespmem:$0x1FF90];
	v32 =	vadd.f32 v59, v32;
	v48 =	vmul.f32 v63, v33;
	v44 =	vmul.f32 v1, v33  }
0x69: {  	_ = 	snop  }
0x6a: {  	v63 =	vld [tilespmem:s16+$0xC810];
	v1 =	vadd.f32 v55, v21;
	v57 =	vadd.f32 v54, v17  }
0x6b: {  	v3 =	vmul.f32 v41, v33;
	v54 =	vmul.f32 v42, v33;
	v62 =	vadd.f32 v49, v2;
	v2 =	vld [tilespmem:$0x1FFB0]  }
0x6c: {  	v41 =	vld [tilespmem:s16+$0x6400];
	v55 =	vadd.f32 v52, v10;
	v10 =	vmul.f32 v38, v33;
	v38 =	vmul.f32 v40, v33  }
0x6d: {  	v36 =	vmul.f32 v36, v33;
	v39 =	vmul.f32 v39, v33;
	v56 =	vadd.f32 v53, v12;
	v12 =	vld [tilespmem:s16+$0xC800]  }
0x6e: {  	v52 =	vadd.f32 v50, v7;
	v35 =	vmul.f32 v35, v33;
	v37 =	vmul.f32 v37, v33  }
0x6f: {  	v33 =	vmul.f32 v34, v33;
	v40 =	vadd.f32 v51, v58;
	v51 =	vbroadcast v63, $0xF  }
0x70: {  	v61 =	vadd.f32 v47, v0;
	v3 =	vadd.f32 v3, v2;
	v2 =	vbroadcast v63, $0x4  }
0x71: {  	v60 =	vadd.f32 v46, v16;
	v17 =	vadd.f32 v43, v15;
	v53 =	vmul.f32 v51, v41  }
0x72: {  	v59 =	vadd.f32 v45, v19;
	v2 =	vmul.f32 v2, v41;
	v42 =	vbroadcast v12, $0x0  }
0x73: {  	v21 =	vadd.f32 v48, v4;
	v46 =	vbroadcast v12, $0x1;
	v34 =	vbroadcast v12, $0x2  }
0x74: {  	v0 =	vadd.f32 v44, v18;
	v44 =	vld [tilespmem:s16+$0x0];
	v43 =	vbroadcast v12, $0x3;
	v45 =	vbroadcast v12, $0x4  }
0x75: {  	v4 =	vadd.f32 v54, v14;
	v7 =	vbroadcast v12, $0x5;
	v54 =	vbroadcast v12, $0x6  }
0x76: {  	v51 =	vadd.f32 v38, v11;
	v16 =	vbroadcast v12, $0x7;
	v38 =	vbroadcast v12, $0x8  }
0x77: {  	v36 =	vadd.f32 v36, v9;
	v58 =	vbroadcast v12, $0x9;
	v48 =	vbroadcast v12, $0xA  }
0x78: {  	v39 =	vadd.f32 v39, v8;
	v49 =	vbroadcast v12, $0xB;
	v50 =	vbroadcast v12, $0xC  }
0x79: {  	v15 =	vadd.f32 v33, v20;
	v33 =	vbroadcast v12, $0xD;
	v42 =	vmul.f32 v42, v44  }
0x7a: {  	v35 =	vadd.f32 v35, v6;
	v46 =	vmul.f32 v46, v44;
	v34 =	vmul.f32 v34, v44  }
0x7b: {  	v37 =	vadd.f32 v37, v5;
	v43 =	vmul.f32 v43, v44;
	v11 =	vmul.f32 v7, v44  }
0x7c: {  	v22 =	vadd.f32 v53, v22;
	v9 =	vmul.f32 v54, v44;
	v16 =	vmul.f32 v16, v44  }
0x7d: {  	v53 =	vadd.f32 v10, v13;
	v54 =	vmul.f32 v38, v44;
	v58 =	vmul.f32 v58, v44  }
0x7e: {  	v17 =	vadd.f32 v2, v17;
	v49 =	vmul.f32 v49, v44;
	v33 =	vmul.f32 v33, v44  }
0x7f: {  	v25 =	vadd.f32 v42, v25;
	v42 =	vbroadcast v12, $0xE;
	v26 =	vadd.f32 v46, v26  }
0x80: {  	v2 =	vld.msk [tilespmem:s16+$0xC820 ss:$0x0], $0xffff;
	v12 =	vbroadcast v12, $0xF;
	v27 =	vadd.f32 v34, v27;
	v46 =	vmul.f32 v45, v44  }
0x81: {  	v28 =	vadd.f32 v43, v28;
	v30 =	vadd.f32 v11, v30;
	v11 =	vmul.f32 v48, v44  }
0x82: {  	v31 =	vadd.f32 v9, v31;
	v9 =	vmul.f32 v50, v44;
	v47 =	vadd.f32 v16, v23  }
0x83: {  	v23 =	vbroadcast v63, $0x0;
	v5 =	vadd.f32 v58, v32;
	v43 =	vadd.f32 v49, v57  }
0x84: {  	v10 =	vadd.f32 v33, v55;
	v55 =	vbroadcast v63, $0x7;
	v57 =	vbroadcast v63, $0x8  }
0x85: {  	v2 =	vmul.f32 v2, v41;
	v29 =	vadd.f32 v46, v29;
	v42 =	vmul.f32 v42, v44  }
0x86: {  	v44 =	vmul.f32 v12, v44;
	v46 =	vadd.f32 v54, v24;
	v24 =	vbroadcast v63, $0x1  }
0x87: {  	v54 =	vbroadcast v63, $0x2;
	v45 =	vadd.f32 v11, v1;
	v1 =	vbroadcast v63, $0x3  }
0x88: {  	v12 =	vadd.f32 v9, v56;
	v9 =	vbroadcast v63, $0x5;
	v23 =	vmul.f32 v23, v41  }
0x89: {  	v11 =	vbroadcast v63, $0x6;
	v24 =	vmul.f32 v24, v41;
	v58 =	vadd.f32 v44, v40  }
0x8a: {  	v32 =	vmul.f32 v54, v41;
	v44 =	vadd.f32 v23, v21;
	v23 =	vbroadcast v63, $0x9  }
0x8b: {  	v7 =	vadd.f32 v42, v52;
	v1 =	vmul.f32 v1, v41;
	v9 =	vmul.f32 v9, v41  }
0x8c: {  	v11 =	vmul.f32 v11, v41;
	v42 =	vadd.f32 v24, v62;
	v24 =	vbroadcast v63, $0xA  }
0x8d: {  	v40 =	vadd.f32 v32, v61;
	v19 =	vadd.f32 v9, v59;
	v9 =	vmul.f32 v55, v41  }
0x8e: {  	v61 =	vbroadcast v63, $0xB;
	v21 =	vadd.f32 v1, v60;
	v1 =	vbroadcast v63, $0xC  }
0x8f: {  	s14 =	sadd.s32 $0x1, s14;
	v62 =	vbroadcast v63, $0xD;
	v16 =	vadd.f32 v9, v3;
	v3 =	vmul.f32 v23, v41  }
0x90: {  	p0 =	sne.s32 s14, $0x5;
	v18 =	vadd.f32 v11, v0;
	v0 =	vbroadcast v63, $0xE;
	v63 =	vmul.f32 v57, v41  }
.Ltmp1:
0x91: {  	v23 =	vmul.f32 v24, v41;
	v13 =	vadd.f32 v3, v53;
	v3 =	vmul.f32 v62, v41;
	(pc) =	sbr.rel @p0 .LBB2_2-.Ltmp1, $4  }
0x92: {  	v14 =	vadd.f32 v63, v4;
	v4 =	vmul.f32 v61, v41;
	v1 =	vmul.f32 v1, v41  }
0x93: {  	v20 =	vadd.f32 v2, v15;
	v0 =	vmul.f32 v0, v41;
	v11 =	vadd.f32 v23, v51  }
0x94: {  	v9 =	vadd.f32 v4, v36;
	v8 =	vadd.f32 v1, v39  }
0x95: {  	v6 =	vadd.f32 v3, v35;
	v3 =	vmov v5;
	v5 =	vadd.f32 v0, v37  }
0x96: {  	v0 =	vmul.f32 v44, v25;
	_ =	sdelay $0x1  }
0x97: {  	v1 =	vmul.f32 v42, v26;
	v0 =	vadd.f32 v20, v0;
	_ =	sdelay $0x1  }
0x98: {  	v0 =	vadd.f32 v0, v1;
	v1 =	vmul.f32 v40, v27;
	_ =	sdelay $0x1  }
0x99: {  	v0 =	vadd.f32 v0, v1;
	v1 =	vmul.f32 v21, v28;
	_ =	sdelay $0x1  }
0x9a: {  	v0 =	vadd.f32 v0, v1;
	v1 =	vmul.f32 v17, v29;
	_ =	sdelay $0x1  }
0x9b: {  	v0 =	vadd.f32 v0, v1;
	v1 =	vmul.f32 v19, v30;
	_ =	sdelay $0x1  }
0x9c: {  	v0 =	vadd.f32 v0, v1;
	v1 =	vmul.f32 v18, v31;
	_ =	sdelay $0x1  }
0x9d: {  	v0 =	vadd.f32 v0, v1;
	v1 =	vmul.f32 v16, v47;
	_ =	sdelay $0x1  }
0x9e: {  	v0 =	vadd.f32 v0, v1;
	v1 =	vmul.f32 v14, v46;
	_ =	sdelay $0x1  }
0x9f: {  	v0 =	vadd.f32 v0, v1;
	v1 =	vmul.f32 v13, v3  }
0xa0: {  	v42 =	vimm.f32 $0.0e+00  }
0xa1: {  	v44 =	vimm.f32 $0.0e+00;
	v0 =	vadd.f32 v0, v1;
	v1 =	vmul.f32 v11, v45  }
0xa2: {  	v26 =	vimm.f32 $0.0e+00;
	v20 =	vimm.f32 $0.0e+00;
	v40 =	vimm.f32 $0.0e+00  }
0xa3: {  	v27 =	vimm.f32 $0.0e+00;
	v0 =	vadd.f32 v0, v1;
	v1 =	vmul.f32 v9, v43  }
0xa4: {  	v21 =	vimm.f32 $0.0e+00;
	v28 =	vimm.f32 $0.0e+00;
	v17 =	vimm.f32 $0.0e+00  }
0xa5: {  	v29 =	vimm.f32 $0.0e+00;
	v0 =	vadd.f32 v0, v1;
	v1 =	vmul.f32 v8, v12  }
0xa6: {  	v19 =	vimm.f32 $0.0e+00;
	v30 =	vimm.f32 $0.0e+00;
	v18 =	vimm.f32 $0.0e+00  }
0xa7: {  	v31 =	vimm.f32 $0.0e+00;
	v0 =	vadd.f32 v0, v1;
	v1 =	vmul.f32 v6, v10  }
0xa8: {  	v16 =	vimm.f32 $0.0e+00;
	v47 =	vimm.f32 $0.0e+00;
	v14 =	vimm.f32 $0.0e+00  }
0xa9: {  	v46 =	vimm.f32 $0.0e+00;
	v0 =	vadd.f32 v0, v1;
	v1 =	vmul.f32 v5, v7  }
0xaa: {  	v13 =	vimm.f32 $0.0e+00;
	v3 =	vimm.f32 $0.0e+00;
	v11 =	vimm.f32 $0.0e+00  }
0xab: {  	v45 =	vimm.f32 $0.0e+00;
	v0 =	vadd.f32 v0, v1;
	v1 =	vmul.f32 v22, v58  }
0xac: {  	v9 =	vimm.f32 $0.0e+00;
	v43 =	vimm.f32 $0.0e+00;
	v8 =	vimm.f32 $0.0e+00  }
0xad: {  	v12 =	vimm.f32 $0.0e+00;
	v6 =	vimm.f32 $0.0e+00;
	v25 =	vadd.f32 v0, v1  }
0xae: {  	v10 =	vimm.f32 $0.0e+00;
	v5 =	vimm.f32 $0.0e+00;
	v7 =	vimm.f32 $0.0e+00  }
0xaf: {  	s14 =	simm.s32 $0x0;
	s15 =	simm.s32 $0x0;
	v22 =	vimm.f32 $0.0e+00;
	v58 =	vimm.f32 $0.0e+00;
	[tilespmem:$0x12C00] =	vst v25;
	v25 =	vimm.f32 $0.0e+00  }
.LBB2_6:
0xb0: {  	s16 =	smul.u32 $0x6400, s15;
	_ =	sdelay $0x1  }
0xb1: {  	[tilespmem:$0x1FF40] =	vst v7;
	s17 =	sadd.s32 s6, s16  }
0xb2: {  	[tilespmem:$0x1FF50] =	vst v10;
	s17 =	sshrl.u32 s17, $0x3  }
0xb3: {  	[tilespmem:$0x1FF10] =	vst v16;
	s18 =	sadd.s32 s3, s17  }
0xb4: {  	[tilespmem:s14], [sflag:$0x1] =	stream.linear.gather [hbm4b:s18+s14], $0x6400, $0x38;
	[tilespmem:$0x12C80] =	vst v63  }
0xb5: {  	_ =	swait.ge [sflag:s9], $0x6400  }
0xb6: {  	[sflag:s9] =	ssyncset.done $0x0  }
0xb7: {  	s17 =	sadd.s32 s4, s17;
	[sflag:s9] =	ssyncadd.s32 $0xFFFF9C00  }
0xb8: {  	[tilespmem:s10], [sflag:$0x1] =	stream.linear.gather [hbm4b:s17+s14], $0x6400, $0x38;
	[tilespmem:$0x12C80] =	vst v63  }
0xb9: {  	_ =	swait.ge [sflag:s9], $0x6400  }
0xba: {  	s16 =	sshrl.u32 s16, $0x3;
	[sflag:s9] =	ssyncset.done $0x0  }
0xbb: {  	s16 =	sadd.s32 s5, s16;
	[sflag:s9] =	ssyncadd.s32 $0xFFFF9C00  }
0xbc: {  	[tilespmem:s11], [sflag:$0x1] =	stream.linear.gather [hbm4b:s16+s14], $0x6400, $0x38;
	[tilespmem:$0x12C80] =	vst v63  }
0xbd: {  	_ =	swait.ge [sflag:s9], $0x6400  }
0xbe: {  	[sflag:s9] =	ssyncset.done $0x0  }
0xbf: {  	s31 =	simm.s32 $0x0;
	[sflag:s9] =	ssyncadd.s32 $0xFFFF9C00  }
0xc0: {  	v34 =	vld [tilespmem:s31+$0xC810]  }
0xc1: {  	v35 =	vld [tilespmem:s31+$0xC800];
	_ =	sdelay $0x3  }
0xc2: {  	v23 =	vbroadcast v34, $0x0;
	v36 =	vbroadcast v34, $0xF  }
0xc3: {  	v2 =	vmov v44;
	v37 =	vbroadcast v35, $0x0;
	v44 =	vbroadcast v35, $0x1  }
0xc4: {  	v16 =	vmovc v21;
	v21 =	vmovc v45;
	v7 =	vmov v47;
	v45 =	vbroadcast v35, $0x2;
	v47 =	vbroadcast v35, $0x3  }
0xc5: {  	v48 =	vbroadcast v35, $0x4;
	v49 =	vbroadcast v35, $0x5  }
0xc6: {  	v50 =	vbroadcast v35, $0x6;
	v51 =	vbroadcast v35, $0x7  }
0xc7: {  	v52 =	vbroadcast v35, $0x8;
	v53 =	vbroadcast v35, $0x9  }
0xc8: {  	v54 =	vbroadcast v35, $0xA;
	v56 =	vbroadcast v35, $0xB  }
0xc9: {  	v57 =	vbroadcast v35, $0xC;
	v1 =	vbroadcast v35, $0xD  }
0xca: {  	v59 =	vbroadcast v35, $0xE;
	v60 =	vbroadcast v35, $0xF  }
0xcb: {  	v33 =	vld [tilespmem:s31+$0x6410];
	v61 =	vbroadcast v34, $0x1;
	v62 =	vbroadcast v34, $0x2  }
0xcc: {  	v4 =	vmovc v17;
	v17 =	vmov v43;
	v32 =	vld [tilespmem:s31+$0x10];
	v63 =	vbroadcast v34, $0x3;
	v43 =	vbroadcast v34, $0x4  }
0xcd: {  	v0 =	vbroadcast v34, $0x5;
	v41 =	vbroadcast v34, $0x7  }
0xce: {  	v15 =	vmov v40;
	v38 =	vbroadcast v34, $0x9;
	v40 =	vbroadcast v34, $0xA  }
0xcf: {  	v39 =	vbroadcast v34, $0xC;
	v35 =	vbroadcast v34, $0xD  }
0xd0: {  	v10 =	vmov v46;
	v46 =	vmul.f32 v36, v33;
	[tilespmem:$0x1FF20] =	vst v0;
	v0 =	vbroadcast v34, $0x6  }
0xd1: {  	v36 =	vbroadcast v34, $0xB;
	v55 =	vmul.f32 v37, v32  }
0xd2: {  	v37 =	vbroadcast v34, $0xE;
	v48 =	vmul.f32 v48, v32  }
0xd3: {  	v49 =	vmul.f32 v49, v32;
	v24 =	vmul.f32 v52, v32  }
0xd4: {  	v52 =	vmul.f32 v1, v32;
	v25 =	vadd.f32 v55, v25;
	v55 =	vmul.f32 v47, v32  }
0xd5: {  	v1 =	vld [tilespmem:$0x1FF20];
	v47 =	vmul.f32 v50, v32;
	v50 =	vmul.f32 v59, v32  }
0xd6: {  	[tilespmem:$0x1FF30] =	vst v0;
	v0 =	vmov v42;
	v42 =	vbroadcast v34, $0x8;
	v34 =	vmul.f32 v44, v32  }
0xd7: {  	v44 =	vmul.f32 v45, v32;
	v45 =	vmul.f32 v53, v32  }
0xd8: {  	v28 =	vadd.f32 v55, v28;
	v55 =	vmul.f32 v54, v32;
	v54 =	vmul.f32 v56, v32  }
0xd9: {  	v53 =	vmul.f32 v57, v32;
	v27 =	vadd.f32 v44, v27;
	v44 =	vmul.f32 v51, v32  }
0xda: {  	v51 =	vmul.f32 v60, v32;
	v32 =	vadd.f32 v45, v3;
	v45 =	vmul.f32 v1, v33;
	v1 =	vld [tilespmem:$0x1FF30]  }
0xdb: {  	v22 =	vadd.f32 v46, v22  }
0xdc: {  	v43 =	vmul.f32 v43, v33;
	v29 =	vadd.f32 v48, v29;
	v30 =	vadd.f32 v49, v30  }
0xdd: {  	v48 =	vmul.f32 v23, v33;
	v49 =	vmul.f32 v61, v33;
	v24 =	vadd.f32 v24, v10;
	v10 =	vld [tilespmem:$0x1FF50]  }
0xde: {  	v46 =	vmul.f32 v63, v33;
	v31 =	vadd.f32 v47, v31;
	v26 =	vadd.f32 v34, v26;
	v34 =	vld.msk [tilespmem:s31+$0xC820 ss:$0x0], $0xffff  }
0xdf: {  	s17 =	simm.s32 $0x80;
	s16 =	simm.s32 $0x400;
	v47 =	vmul.f32 v62, v33;
	v23 =	vadd.f32 v44, v7;
	v7 =	vld [tilespmem:$0x1FF40];
	v44 =	vmul.f32 v1, v33  }
.LBB2_7:
0xe0: {  	v41 =	vmul.f32 v41, v33;
	v42 =	vmul.f32 v42, v33  }
0xe1: {  	v56 =	vld [tilespmem:s17+$0xC810];
	v38 =	vmul.f32 v38, v33;
	v40 =	vmul.f32 v40, v33  }
0xe2: {  	v36 =	vmul.f32 v36, v33;
	v39 =	vmul.f32 v39, v33;
	v15 =	vadd.f32 v47, v15  }
0xe3: {  	v35 =	vmul.f32 v35, v33;
	v16 =	vadd.f32 v46, v16;
	v21 =	vadd.f32 v55, v21  }
0xe4: {  	v37 =	vmul.f32 v37, v33;
	v17 =	vadd.f32 v54, v17;
	v7 =	vadd.f32 v50, v7  }
0xe5: {  	v50 =	vmul.f32 v34, v33;
	v2 =	vadd.f32 v48, v2;
	v14 =	vadd.f32 v42, v14  }
0xe6: {  	v55 =	vld [tilespmem:s17+$0xC800];
	v13 =	vadd.f32 v38, v13;
	v11 =	vadd.f32 v40, v11;
	v1 =	vbroadcast v56, $0x0  }
0xe7: {  	v9 =	vadd.f32 v36, v9;
	v3 =	vbroadcast v56, $0x3;
	v42 =	vbroadcast v56, $0x8  }
0xe8: {  	v62 =	vld [tilespmem:s17+$0x6410];
	v8 =	vadd.f32 v39, v8;
	v38 =	vbroadcast v56, $0x9;
	v40 =	vbroadcast v56, $0xA  }
0xe9: {  	v6 =	vadd.f32 v35, v6;
	v36 =	vbroadcast v56, $0xB;
	v39 =	vbroadcast v56, $0xC  }
0xea: {  	v5 =	vadd.f32 v37, v5;
	v35 =	vbroadcast v56, $0xD;
	v37 =	vbroadcast v56, $0xE  }
0xeb: {  	v0 =	vadd.f32 v49, v0;
	v48 =	vbroadcast v55, $0x0;
	[tilespmem:$0x1FEC0] =	vst v1;
	v1 =	vbroadcast v56, $0xF  }
0xec: {  	v58 =	vadd.f32 v51, v58;
	v51 =	vbroadcast v55, $0x1;
	v49 =	vbroadcast v55, $0x2  }
0xed: {  	v10 =	vadd.f32 v52, v10;
	v47 =	vbroadcast v55, $0x3;
	v1 =	vmul.f32 v1, v62  }
0xee: {  	v63 =	vld.msk [tilespmem:s17+$0xC820 ss:$0x0], $0xffff;
	v12 =	vadd.f32 v53, v12;
	v52 =	vbroadcast v55, $0x4;
	v46 =	vbroadcast v55, $0x5  }
0xef: {  	v54 =	vbroadcast v55, $0x6;
	v53 =	vbroadcast v55, $0x7;
	v22 =	vadd.f32 v1, v22;
	v1 =	vld [tilespmem:$0x1FF10]  }
0xf0: {  	v57 =	vld [tilespmem:s17+$0x10];
	v4 =	vadd.f32 v43, v4;
	v59 =	vbroadcast v55, $0x8;
	v43 =	vbroadcast v55, $0x9  }
0xf1: {  	v19 =	vadd.f32 v45, v19;
	v60 =	vbroadcast v55, $0xA;
	v45 =	vbroadcast v55, $0xB  }
0xf2: {  	v18 =	vadd.f32 v44, v18;
	[tilespmem:$0x1FF00] =	vst v12;
	v61 =	vbroadcast v55, $0xC;
	v44 =	vbroadcast v55, $0xD  }
0xf3: {  	v34 =	vmov v63;
	[tilespmem:$0x1FEF0] =	vst v58;
	v63 =	vbroadcast v55, $0xF;
	v12 =	vbroadcast v56, $0x1  }
0xf4: {  	v58 =	vbroadcast v56, $0x6;
	[tilespmem:$0x1FED0] =	vst v3;
	v3 =	vbroadcast v56, $0x4;
	v1 =	vadd.f32 v41, v1  }
0xf5: {  	v48 =	vmul.f32 v48, v57;
	v49 =	vmul.f32 v49, v57  }
0xf6: {  	v47 =	vmul.f32 v47, v57;
	[tilespmem:$0x1FF10] =	vst v1;
	v1 =	vbroadcast v56, $0x2  }
0xf7: {  	v33 =	vmov v62;
	v46 =	vmul.f32 v46, v57;
	v62 =	vbroadcast v55, $0xE  }
0xf8: {  	v55 =	vbroadcast v56, $0x5;
	v28 =	vadd.f32 v47, v28;
	v47 =	vmul.f32 v1, v33;
	v1 =	vld [tilespmem:$0x1FED0]  }
0xf9: {  	v25 =	vadd.f32 v48, v25;
	v48 =	vmul.f32 v52, v57;
	v41 =	vbroadcast v56, $0x7  }
0xfa: {  	v56 =	vmul.f32 v51, v57;
	v51 =	vmul.f32 v54, v57  }
0xfb: {  	v27 =	vadd.f32 v49, v27;
	v49 =	vmul.f32 v53, v57;
	v53 =	vmul.f32 v61, v57  }
0xfc: {  	v52 =	vmul.f32 v44, v57;
	[tilespmem:$0x1FEE0] =	vst v55;
	v31 =	vadd.f32 v51, v31;
	v51 =	vmul.f32 v63, v57;
	v63 =	vld [tilespmem:$0x1FEC0]  }
0xfd: {  	p0 =	sne.s32 s16, $0x18E00;
	v30 =	vadd.f32 v46, v30;
	v44 =	vmul.f32 v58, v33;
	v46 =	vmul.f32 v1, v33;
	v1 =	vld [tilespmem:$0x1FEE0]  }
.Ltmp2:
0xfe: {  	v20 =	vadd.f32 v50, v20;
	v55 =	vmul.f32 v60, v57;
	v50 =	vmul.f32 v62, v57;
	(pc) =	sbr.rel @p0 .LBB2_7-.Ltmp2, $4  }
0xff: {  	v29 =	vadd.f32 v48, v29;
	v26 =	vadd.f32 v56, v26;
	v56 =	vmul.f32 v59, v57  }
0x100: {  	v23 =	vadd.f32 v49, v23;
	v49 =	vmul.f32 v12, v33;
	v59 =	vmul.f32 v43, v57  }
0x101: {  	v58 =	vld [tilespmem:$0x1FEF0];
	v54 =	vmul.f32 v45, v57;
	v43 =	vmul.f32 v3, v33;
	v24 =	vadd.f32 v56, v24  }
0x102: {  	s17 =	sshra.s32 s16, $0x2;
	s16 =	sadd.s32 $0x200, s16;
	v12 =	vld [tilespmem:$0x1FF00];
	v32 =	vadd.f32 v59, v32;
	v48 =	vmul.f32 v63, v33;
	v45 =	vmul.f32 v1, v33  }
0x103: {  	_ = 	snop  }
0x104: {  	v63 =	vld [tilespmem:s17+$0xC810];
	v1 =	vadd.f32 v55, v21;
	v57 =	vadd.f32 v54, v17  }
0x105: {  	v3 =	vmul.f32 v41, v33;
	v54 =	vmul.f32 v42, v33;
	v21 =	vadd.f32 v48, v2;
	v2 =	vld [tilespmem:$0x1FF10]  }
0x106: {  	v41 =	vld [tilespmem:s17+$0x6410];
	v55 =	vadd.f32 v52, v10;
	v10 =	vmul.f32 v38, v33;
	v38 =	vmul.f32 v40, v33  }
0x107: {  	v36 =	vmul.f32 v36, v33;
	v39 =	vmul.f32 v39, v33;
	v56 =	vadd.f32 v53, v12;
	v12 =	vld [tilespmem:s17+$0xC800]  }
0x108: {  	v52 =	vadd.f32 v50, v7;
	v35 =	vmul.f32 v35, v33;
	v37 =	vmul.f32 v37, v33  }
0x109: {  	v33 =	vmul.f32 v34, v33;
	v40 =	vadd.f32 v51, v58;
	v51 =	vbroadcast v63, $0xF  }
0x10a: {  	v62 =	vadd.f32 v49, v0;
	v3 =	vadd.f32 v3, v2;
	v2 =	vbroadcast v63, $0x4  }
0x10b: {  	v61 =	vadd.f32 v47, v15;
	v60 =	vadd.f32 v46, v16;
	v53 =	vmul.f32 v51, v41  }
0x10c: {  	v17 =	vadd.f32 v43, v4;
	v2 =	vmul.f32 v2, v41;
	v42 =	vbroadcast v12, $0x0  }
0x10d: {  	v0 =	vadd.f32 v44, v18;
	v46 =	vbroadcast v12, $0x1;
	v34 =	vbroadcast v12, $0x2  }
0x10e: {  	v44 =	vld [tilespmem:s17+$0x10];
	v59 =	vadd.f32 v45, v19;
	v43 =	vbroadcast v12, $0x3;
	v45 =	vbroadcast v12, $0x4  }
0x10f: {  	v4 =	vadd.f32 v54, v14;
	v7 =	vbroadcast v12, $0x5;
	v54 =	vbroadcast v12, $0x6  }
0x110: {  	v51 =	vadd.f32 v38, v11;
	v16 =	vbroadcast v12, $0x7;
	v38 =	vbroadcast v12, $0x8  }
0x111: {  	v36 =	vadd.f32 v36, v9;
	v58 =	vbroadcast v12, $0x9;
	v48 =	vbroadcast v12, $0xA  }
0x112: {  	v39 =	vadd.f32 v39, v8;
	v49 =	vbroadcast v12, $0xB;
	v50 =	vbroadcast v12, $0xC  }
0x113: {  	v15 =	vadd.f32 v33, v20;
	v33 =	vbroadcast v12, $0xD;
	v42 =	vmul.f32 v42, v44  }
0x114: {  	v35 =	vadd.f32 v35, v6;
	v46 =	vmul.f32 v46, v44;
	v34 =	vmul.f32 v34, v44  }
0x115: {  	v37 =	vadd.f32 v37, v5;
	v43 =	vmul.f32 v43, v44;
	v11 =	vmul.f32 v7, v44  }
0x116: {  	v22 =	vadd.f32 v53, v22;
	v9 =	vmul.f32 v54, v44;
	v16 =	vmul.f32 v16, v44  }
0x117: {  	v53 =	vadd.f32 v10, v13;
	v54 =	vmul.f32 v38, v44;
	v58 =	vmul.f32 v58, v44  }
0x118: {  	v17 =	vadd.f32 v2, v17;
	v49 =	vmul.f32 v49, v44;
	v33 =	vmul.f32 v33, v44  }
0x119: {  	v25 =	vadd.f32 v42, v25;
	v42 =	vbroadcast v12, $0xE;
	v26 =	vadd.f32 v46, v26  }
0x11a: {  	v12 =	vbroadcast v12, $0xF;
	v27 =	vadd.f32 v34, v27;
	v46 =	vmul.f32 v45, v44  }
0x11b: {  	v28 =	vadd.f32 v43, v28;
	v30 =	vadd.f32 v11, v30;
	v11 =	vmul.f32 v48, v44  }
0x11c: {  	v31 =	vadd.f32 v9, v31;
	v9 =	vmul.f32 v50, v44;
	v47 =	vadd.f32 v16, v23  }
0x11d: {  	v23 =	vbroadcast v63, $0x0;
	v43 =	vadd.f32 v49, v57;
	v10 =	vadd.f32 v33, v55  }
0x11e: {  	v2 =	vld.msk [tilespmem:s17+$0xC820 ss:$0x0], $0xffff;
	v55 =	vbroadcast v63, $0x7;
	v57 =	vbroadcast v63, $0x8;
	v29 =	vadd.f32 v46, v29  }
0x11f: {  	v42 =	vmul.f32 v42, v44;
	v44 =	vmul.f32 v12, v44;
	v46 =	vadd.f32 v54, v24  }
0x120: {  	v24 =	vbroadcast v63, $0x1;
	v54 =	vbroadcast v63, $0x2;
	v45 =	vadd.f32 v11, v1  }
0x121: {  	v1 =	vbroadcast v63, $0x3;
	v12 =	vadd.f32 v9, v56;
	v9 =	vbroadcast v63, $0x5  }
0x122: {  	v5 =	vadd.f32 v58, v32;
	v11 =	vbroadcast v63, $0x6;
	v23 =	vmul.f32 v23, v41  }
0x123: {  	v2 =	vmul.f32 v2, v41;
	v24 =	vmul.f32 v24, v41;
	v58 =	vadd.f32 v44, v40  }
0x124: {  	v32 =	vmul.f32 v54, v41;
	v44 =	vadd.f32 v23, v21;
	v23 =	vbroadcast v63, $0x9  }
0x125: {  	v7 =	vadd.f32 v42, v52;
	v1 =	vmul.f32 v1, v41;
	v9 =	vmul.f32 v9, v41  }
0x126: {  	v11 =	vmul.f32 v11, v41;
	v42 =	vadd.f32 v24, v62;
	v24 =	vbroadcast v63, $0xA  }
0x127: {  	v40 =	vadd.f32 v32, v61;
	v19 =	vadd.f32 v9, v59;
	v9 =	vmul.f32 v55, v41  }
0x128: {  	v61 =	vbroadcast v63, $0xB;
	v21 =	vadd.f32 v1, v60;
	v1 =	vbroadcast v63, $0xC  }
0x129: {  	s15 =	sadd.s32 $0x1, s15;
	v62 =	vbroadcast v63, $0xD;
	v16 =	vadd.f32 v9, v3;
	v3 =	vmul.f32 v23, v41  }
0x12a: {  	p0 =	sne.s32 s15, $0x5;
	v18 =	vadd.f32 v11, v0;
	v0 =	vbroadcast v63, $0xE;
	v63 =	vmul.f32 v57, v41  }
.Ltmp3:
0x12b: {  	v23 =	vmul.f32 v24, v41;
	v13 =	vadd.f32 v3, v53;
	v3 =	vmul.f32 v62, v41;
	(pc) =	sbr.rel @p0 .LBB2_6-.Ltmp3, $4  }
0x12c: {  	v14 =	vadd.f32 v63, v4;
	v4 =	vmul.f32 v61, v41;
	v1 =	vmul.f32 v1, v41  }
0x12d: {  	v20 =	vadd.f32 v2, v15;
	v0 =	vmul.f32 v0, v41;
	v11 =	vadd.f32 v23, v51  }
0x12e: {  	v9 =	vadd.f32 v4, v36;
	v8 =	vadd.f32 v1, v39  }
0x12f: {  	v6 =	vadd.f32 v3, v35;
	v3 =	vmov v5;
	v5 =	vadd.f32 v0, v37  }
0x130: {  	v0 =	vmul.f32 v44, v25;
	_ =	sdelay $0x1  }
0x131: {  	v1 =	vmul.f32 v42, v26;
	v0 =	vadd.f32 v20, v0;
	_ =	sdelay $0x1  }
0x132: {  	v49 =	vmul.f32 v40, v27;
	v0 =	vadd.f32 v0, v1;
	_ =	sdelay $0x1  }
0x133: {  	v50 =	vmul.f32 v21, v28;
	v0 =	vadd.f32 v0, v49;
	_ =	sdelay $0x1  }
0x134: {  	v51 =	vmul.f32 v17, v29;
	v0 =	vadd.f32 v0, v50;
	_ =	sdelay $0x1  }
0x135: {  	v52 =	vmul.f32 v19, v30;
	v0 =	vadd.f32 v0, v51;
	_ =	sdelay $0x1  }
0x136: {  	v53 =	vmul.f32 v18, v31;
	v0 =	vadd.f32 v0, v52;
	_ =	sdelay $0x1  }
0x137: {  	v54 =	vmul.f32 v16, v47;
	v0 =	vadd.f32 v0, v53;
	_ =	sdelay $0x1  }
0x138: {  	v55 =	vmul.f32 v14, v46;
	v0 =	vadd.f32 v0, v54;
	_ =	sdelay $0x1  }
0x139: {  	v56 =	vmul.f32 v13, v3;
	v0 =	vadd.f32 v0, v55;
	_ =	sdelay $0x1  }
0x13a: {  	v57 =	vmul.f32 v11, v45;
	v0 =	vadd.f32 v0, v56;
	_ =	sdelay $0x1  }
0x13b: {  	v59 =	vmul.f32 v9, v43;
	v0 =	vadd.f32 v0, v57;
	_ =	sdelay $0x1  }
0x13c: {  	v60 =	vmul.f32 v8, v12;
	v0 =	vadd.f32 v0, v59;
	_ =	sdelay $0x1  }
0x13d: {  	v61 =	vmul.f32 v6, v10;
	v0 =	vadd.f32 v0, v60;
	_ =	sdelay $0x1  }
0x13e: {  	v62 =	vmul.f32 v5, v7;
	v0 =	vadd.f32 v0, v61;
	_ =	sdelay $0x1  }
0x13f: {  	v63 =	vmul.f32 v22, v58;
	v0 =	vadd.f32 v0, v62;
	_ =	sdelay $0x1  }
0x140: {  	s13 =	sadd.s32 $0x1, s13;
	v0 =	vadd.f32 v0, v63  }
0x141: {  	p0 =	sne.s32 s13, s8  }
.Ltmp4:
0x142: {  	[tilespmem:$0x12C10] =	vst v0;
	(pc) =	sbr.rel @p0 .LBB2_1-.Ltmp4, $4  }
0x143: {  	[hbm4b:s7+s2] =	stream.linear.scatter [tilespmem:s12], [sflag:$0x1], $0x20, $0x38;
	[tilespmem:$0x12C80] =	vst v63  }
0x144: {  	_ =	swait.ge [sflag:s9], $0x20  }
0x145: {  	[sflag:s9] =	ssyncset.done $0x0  }
0x146: {  	[sflag:s9] =	ssyncadd.s32 $0xFFFFFFE0  }
0x147: {  	_ =	sfence.sel $0x180000  }
0x148: {  	[bflag:$0x0] =	sbarrier.arrive $0xFFFF  }
0x149: {  	p0 =	sne.s32 s1, $0x0;
	_ =	strace $0x90000047  }
0x14a: {  	s0 =	sadd.s32 @!p0 $0x100000, s0;
	[bflag:$0x2] =	sbarrier.arrive $0xFFFF  }
0x14b: {  	[sflag:s0] =	ssyncadd.tile.s32 @!p0 $0x1;
	_ =	shalt  }
.Lfunc_end2:
_tile_overlayer_lowered:
.L_overlay_start_2:
0x14c: {  	(tag) =	ssettag $0x2  }
0x14d: {  	s0 =	rddreg [dreg:$0x0];
	s2 =	stileid.u32  }
0x14e: {  	s1 =	rddreg [dreg:$0x1];
	p0 =	sne.s32 s2, $0x0  }
0x14f: {  	s3 =	rddreg [dreg:$0x2];
	[bflag:$0x3] =	sbarrier.arrive $0xFFFF;
	s2 =	simm.s32 @!p0 $0x1C01  }
0x150: {  	[timem:s3], [sflag:s2] =	dma.local @!p0 [hbm:s0], s1  }
0x151: {  	s0 =	simm.s32 @!p0 $0x1  }
0x152: {  	_ =	swait.ge @!p0 [sflag:s0], s1  }
0x153: {  	s1 =	ssub.s32 @!p0 $0x0, s1;
	[sflag:s0] =	ssyncset.done @!p0 $0x0  }
0x154: {  	[sflag:s0] =	ssyncadd.s32 @!p0 s1  }
0x155: {  	[bflag:$0x3] =	sbarrier.arrive $0xFFFF  }
0x156: {  	_ =	shalt  }

</sc_bundles>
